<compile_context>
chip_gen: v7x
topology: tpu7x:2x2x1
jax: 0.10.2.dev20260603
libtpu: 0.0.44.dev20260713+nightly
codegen_flags: <defaults>
</compile_context>

<pallas_src>
import functools

import jax
import jax.numpy as jnp
from jax import lax
from jax.experimental import pallas as pl
from jax.experimental.pallas import tpu as pltpu
from jax.experimental.pallas import tpu_sc as plsc

_B, _N, _D = 128, 8192, 16
_RSC = 64
_RTC = _B - _RSC
_NW = 32
_RPW = _RSC // _NW
_CW = 2048
_NCH = _N // _CW
_NG = _RPW * _NCH
_UNR = 2
_TCB = 16


def _sc_body(x_hbm, o_hbm, buf0, buf1, win, wout, sem0, sem1):
    wid = lax.axis_index("s") * 2 + lax.axis_index("c")
    iota = lax.iota(jnp.int32, 16)

    bufs = (buf0, buf1)
    sems = (sem0, sem1)

    def start(g):
        row = wid * _RPW + (g // _NCH)
        cap0 = (g % _NCH) * _CW
        return pltpu.async_copy(
            x_hbm.at[row, :, pl.ds(cap0, _CW)], bufs[g % 2], sems[g % 2])

    def chunk_src(g):
        row = wid * _RPW + lax.div(g, _NCH)
        cap0 = lax.rem(g, _NCH) * _CW
        return x_hbm.at[row, :, pl.ds(cap0, _CW)]

    start(0)
    start(1)

    def scan_chunk(g, buf, carry):
        def grp(q, carry):
            sbv = list(carry[: _UNR])
            sbi = list(carry[_UNR: 2 * _UNR])
            cbase = carry[2 * _UNR]
            for m in range(_UNR):
                vs = [buf[k, pl.ds(q * (16 * _UNR) + m * 16, 16)]
                      for k in range(_D)]
                sq = [v * v for v in vs]
                while len(sq) > 1:
                    sq = [sq[i] + sq[i + 1] for i in range(0, len(sq), 2)]
                acc = sq[0]
                idxv = iota + (cbase + m * 16) + q * (16 * _UNR)
                m_upd = acc > sbv[m]
                sbv[m] = jnp.where(m_upd, acc, sbv[m])
                sbi[m] = jnp.where(m_upd, idxv, sbi[m])
            return tuple(sbv) + tuple(sbi) + (cbase,)

        cbase = lax.rem(g, _NCH) * _CW
        res = lax.fori_loop(0, _CW // (16 * _UNR), grp, carry + (cbase,))
        return res[: 2 * _UNR]

    def finish_row(g, carry):
        bv = carry[: _UNR]
        bi = carry[_UNR:]
        row = wid * _RPW + lax.div(g, _NCH)
        mv, mi = bv[0], bi[0]
        for u in range(1, _UNR):
            take = (bv[u] > mv) | ((bv[u] == mv) & (bi[u] < mi))
            mv = jnp.where(take, bv[u], mv)
            mi = jnp.where(take, bi[u], mi)
        mx = jnp.max(mv)
        cand = jnp.where(mv == mx, mi, jnp.int32(_N))
        j = jnp.min(cand)
        jt = pl.multiple_of((j >> 7) << 7, 128)
        pltpu.sync_copy(x_hbm.at[row, :, pl.ds(jt, 128)], win)
        jm = jnp.full((16,), 0, jnp.int32) + (j - jt)
        wv = plsc.load_gather(win, [iota, jm])
        wout[0, pl.ds(0, _D)] = wv
        pltpu.sync_copy(wout, o_hbm.at[pl.ds(row, 1), :])

    def ring(ig, carry):
        g0 = ig * 2
        g1 = g0 + 1
        fresh = lax.rem(g0, _NCH) == 0
        carry = tuple(
            jnp.where(fresh, jnp.full((16,), -1.0, jnp.float32), c)
            for c in carry[: _UNR]) + tuple(
            jnp.where(fresh, jnp.zeros((16,), jnp.int32), c)
            for c in carry[_UNR:])
        pltpu.make_async_copy(chunk_src(g0), buf0, sem0).wait()
        carry = scan_chunk(g0, buf0, carry)

        @pl.when(g0 + 2 < _NG)
        def _():
            pltpu.async_copy(chunk_src(g0 + 2), buf0, sem0)

        pltpu.make_async_copy(chunk_src(g1), buf1, sem1).wait()
        carry = scan_chunk(g1, buf1, carry)

        @pl.when(g1 + 2 < _NG)
        def _():
            pltpu.async_copy(chunk_src(g1 + 2), buf1, sem1)

        @pl.when(lax.rem(g1, _NCH) == _NCH - 1)
        def _():
            finish_row(g1, carry)

        return carry

    init = tuple(jnp.full((16,), -1.0, jnp.float32) for _ in range(_UNR)) \
        + tuple(jnp.zeros((16,), jnp.int32) for _ in range(_UNR))
    lax.fori_loop(0, _NG // 2, ring, init)


_sc_part = functools.partial(
    pl.kernel,
    out_type=jax.ShapeDtypeStruct((_RSC, _D), jnp.float32),
    mesh=plsc.VectorSubcoreMesh(core_axis_name="c", subcore_axis_name="s"),
    compiler_params=pltpu.CompilerParams(
        needs_layout_passes=False, use_tc_tiling_on_sc=True),
    scratch_types=[
        pltpu.VMEM((_D, _CW), jnp.float32),
        pltpu.VMEM((_D, _CW), jnp.float32),
        pltpu.VMEM((_D, 128), jnp.float32),
        pltpu.VMEM((1, _D), jnp.float32),
        pltpu.SemaphoreType.DMA,
        pltpu.SemaphoreType.DMA,
    ],
)(_sc_body)


def _tc_body(x_ref, o_ref):
    x = x_ref[...]
    n2 = jnp.sum(x * x, axis=1)
    m = jnp.max(n2, axis=1, keepdims=True)
    iota2 = lax.broadcasted_iota(jnp.int32, (_TCB, _N), 1)
    cand = jnp.where(n2 == m, iota2, jnp.int32(_N))
    j = jnp.min(cand, axis=1)
    oh = (iota2 == j[:, None]).astype(jnp.float32)
    o_ref[...] = jnp.einsum('bkn,bn->bk', x, oh,
                            preferred_element_type=jnp.float32)


_tc_part = pl.pallas_call(
    _tc_body,
    out_shape=jax.ShapeDtypeStruct((_RTC, _D), jnp.float32),
    grid=(_RTC // _TCB,),
    in_specs=[pl.BlockSpec((_TCB, _D, _N),
                           lambda i: (_RSC // _TCB + i, 0, 0))],
    out_specs=pl.BlockSpec((_TCB, _D), lambda i: (i, 0)),
    compiler_params=pltpu.CompilerParams(
        dimension_semantics=("arbitrary",)),
)


@jax.jit
def kernel(inputs):
    xt = jnp.transpose(inputs, (0, 2, 1))
    sc_out = _sc_part(xt)
    tc_out = _tc_part(xt)
    return jnp.concatenate([sc_out, tc_out], axis=0)

# --- scband reference (transcript-rebuilt; emitter-appended) ---
"""Pipeline reference for scband-mask-cid-61297773248623 (READ-ONLY COPY).

The authoritative reference and input builder live on the scoring server;
editing this copy changes nothing except your own understanding.
"""

import jax, jax.numpy as jnp
import numpy as np


def setup_inputs(seed: int = 0) -> dict:
    key = jax.random.key(seed)
    inputs = jax.random.normal(key, (128, 8192, 16), dtype=jnp.float32)
    return {"inputs": inputs}


def reference(inputs):
    # norm of each capsule vector: [B, N]
    x = jnp.sqrt(jnp.sum(jnp.square(inputs), axis=-1))
    # argmax over capsule axis: [B]
    mask = jnp.argmax(x, axis=1)
    # gather_nd equivalent: select winning capsule per batch element
    increasing = jnp.arange(inputs.shape[0])
    masked = inputs[increasing, mask]  # [B, d]
    return masked

if __name__ == "__main__":
    import jax
    _d = setup_inputs()
    print(jax.jit(kernel)(*tuple(_d.values())))

</pallas_src>

<mosaic_0001>
#map = affine_map<(d0, d1) -> (0, 0, 0)>
#map1 = affine_map<(d0, d1) -> (0, 0)>
module attributes {stable_mosaic.version = 14 : i64} {
  func.func @_sc_body(%arg0: i32, %arg1: i32, %arg2: memref<128x16x8192xf32, #tpu.memory_space<hbm>>, %arg3: memref<64x16xf32, #tpu.memory_space<hbm>>, %arg4: memref<16x2048xf32, #tpu.memory_space<vmem>>, %arg5: memref<16x2048xf32, #tpu.memory_space<vmem>>, %arg6: memref<16x128xf32, #tpu.memory_space<vmem>>, %arg7: memref<1x16xf32, #tpu.memory_space<vmem>>, %arg8: memref<!tpu.dma_semaphore, #tpu.memory_space<semaphore_mem>>, %arg9: memref<!tpu.dma_semaphore, #tpu.memory_space<semaphore_mem>>) attributes {dimension_semantics = [#tpu.dimension_semantics<core_parallel>, #tpu.dimension_semantics<subcore_parallel>], iteration_bounds = array<i64: 2, 16>, scalar_prefetch = 0 : i64, scratch_operands = 6 : i64, tpu.core_type = #tpu.core_type<sc_vector_subcore>, window_params = [{transform_indices = #map}, {transform_indices = #map1}]} {
    %mul3A = arith.constant 2 : i32
    %mul3A_0 = arith.muli %arg1, %mul3A : i32
    %add3A = arith.addi %mul3A_0, %arg0 : i32
    %iota3A = tpu.iota {dimensions = array<i32: 0>} : vector<16xi32>
    %mul3A_1 = arith.constant 2 : i32
    %mul3A_2 = arith.muli %add3A, %mul3A_1 : i32
    %add3A_3 = arith.constant 0 : i32
    %add3A_4 = arith.addi %mul3A_2, %add3A_3 : i32
    %dma_start3A = arith.constant 0 : i32
    %dma_start3A_5 = arith.constant 0 : i32
    %dma_start3A_6 = tpu.memref_slice %arg2[%add3A_4, %dma_start3A, %dma_start3A_5] : memref<128x16x8192xf32, #tpu.memory_space<hbm>> -> memref<1x16x2048xf32, #tpu.memory_space<hbm>>
    %dma_start3A_7 = tpu.memref_squeeze %dma_start3A_6 : memref<1x16x2048xf32, #tpu.memory_space<hbm>> -> memref<16x2048xf32, #tpu.memory_space<hbm>>
    %dma_start3A_8 = arith.constant 0 : i32
    %dma_start3A_9 = arith.constant 0 : i32
    %dma_start3A_10 = tpu.memref_slice %arg2[%add3A_4, %dma_start3A_8, %dma_start3A_9] : memref<128x16x8192xf32, #tpu.memory_space<hbm>> -> memref<1x16x2048xf32, #tpu.memory_space<hbm>>
    %dma_start3A_11 = tpu.memref_squeeze %dma_start3A_10 : memref<1x16x2048xf32, #tpu.memory_space<hbm>> -> memref<16x2048xf32, #tpu.memory_space<hbm>>
    tpu.enqueue_dma source(%dma_start3A_11 : memref<16x2048xf32, #tpu.memory_space<hbm>>) target(%arg4 : memref<16x2048xf32, #tpu.memory_space<vmem>>) target_semaphore(%arg8 : memref<!tpu.dma_semaphore, #tpu.memory_space<semaphore_mem>>)
    %mul3A_12 = arith.constant 2 : i32
    %mul3A_13 = arith.muli %add3A, %mul3A_12 : i32
    %add3A_14 = arith.constant 0 : i32
    %add3A_15 = arith.addi %mul3A_13, %add3A_14 : i32
    %dma_start3A_16 = arith.constant 0 : i32
    %dma_start3A_17 = arith.constant 2048 : i32
    %dma_start3A_18 = tpu.memref_slice %arg2[%add3A_15, %dma_start3A_16, %dma_start3A_17] : memref<128x16x8192xf32, #tpu.memory_space<hbm>> -> memref<1x16x2048xf32, #tpu.memory_space<hbm>>
    %dma_start3A_19 = tpu.memref_squeeze %dma_start3A_18 : memref<1x16x2048xf32, #tpu.memory_space<hbm>> -> memref<16x2048xf32, #tpu.memory_space<hbm>>
    %dma_start3A_20 = arith.constant 0 : i32
    %dma_start3A_21 = arith.constant 2048 : i32
    %dma_start3A_22 = tpu.memref_slice %arg2[%add3A_15, %dma_start3A_20, %dma_start3A_21] : memref<128x16x8192xf32, #tpu.memory_space<hbm>> -> memref<1x16x2048xf32, #tpu.memory_space<hbm>>
    %dma_start3A_23 = tpu.memref_squeeze %dma_start3A_22 : memref<1x16x2048xf32, #tpu.memory_space<hbm>> -> memref<16x2048xf32, #tpu.memory_space<hbm>>
    tpu.enqueue_dma source(%dma_start3A_23 : memref<16x2048xf32, #tpu.memory_space<hbm>>) target(%arg5 : memref<16x2048xf32, #tpu.memory_space<vmem>>) target_semaphore(%arg9 : memref<!tpu.dma_semaphore, #tpu.memory_space<semaphore_mem>>)
    %broadcast_in_dim3A = arith.constant -1.000000e+00 : f32
    %broadcast_in_dim3A_24 = vector.broadcast %broadcast_in_dim3A : f32 to vector<16xf32>
    %broadcast_in_dim3A_25 = arith.constant -1.000000e+00 : f32
    %broadcast_in_dim3A_26 = vector.broadcast %broadcast_in_dim3A_25 : f32 to vector<16xf32>
    %broadcast_in_dim3A_27 = arith.constant 0 : i32
    %broadcast_in_dim3A_28 = vector.broadcast %broadcast_in_dim3A_27 : i32 to vector<16xi32>
    %broadcast_in_dim3A_29 = arith.constant 0 : i32
    %broadcast_in_dim3A_30 = vector.broadcast %broadcast_in_dim3A_29 : i32 to vector<16xi32>
    %scan3A = arith.constant 0 : i32
    %scan3A_31 = arith.constant 4 : i32
    %scan3A_32 = arith.addi %scan3A, %scan3A_31 : i32
    %scan3A_33 = arith.constant 1 : i32
    %scan3A_34:4 = scf.for %scan3A_36 = %scan3A to %scan3A_32 step %scan3A_33 iter_args(%scan3A_37 = %broadcast_in_dim3A_24, %scan3A_38 = %broadcast_in_dim3A_26, %scan3A_39 = %broadcast_in_dim3A_28, %scan3A_40 = %broadcast_in_dim3A_30) -> (vector<16xf32>, vector<16xf32>, vector<16xi32>, vector<16xi32>)  : i32 {
      %mul3A_41 = arith.constant 2 : i32
      %mul3A_42 = arith.muli %scan3A_36, %mul3A_41 : i32
      %add3A_43 = arith.constant 1 : i32
      %add3A_44 = arith.addi %mul3A_42, %add3A_43 : i32
      %rem3A = arith.constant 4 : i32
      %rem3A_45 = arith.remsi %mul3A_42, %rem3A : i32
      %eq3A = arith.constant 0 : i32
      %eq3A_46 = arith.cmpi eq, %rem3A_45, %eq3A : i32
      %broadcast_in_dim3A_47 = arith.constant -1.000000e+00 : f32
      %broadcast_in_dim3A_48 = vector.broadcast %broadcast_in_dim3A_47 : f32 to vector<16xf32>
      %select_n3A = arith.select %eq3A_46, %broadcast_in_dim3A_48, %scan3A_37 : vector<16xf32>
      %broadcast_in_dim3A_49 = arith.constant -1.000000e+00 : f32
      %broadcast_in_dim3A_50 = vector.broadcast %broadcast_in_dim3A_49 : f32 to vector<16xf32>
      %select_n3A_51 = arith.select %eq3A_46, %broadcast_in_dim3A_50, %scan3A_38 : vector<16xf32>
      %broadcast_in_dim3A_52 = arith.constant 0 : i32
      %broadcast_in_dim3A_53 = vector.broadcast %broadcast_in_dim3A_52 : i32 to vector<16xi32>
      %select_n3A_54 = arith.select %eq3A_46, %broadcast_in_dim3A_53, %scan3A_39 : vector<16xi32>
      %broadcast_in_dim3A_55 = arith.constant 0 : i32
      %broadcast_in_dim3A_56 = vector.broadcast %broadcast_in_dim3A_55 : i32 to vector<16xi32>
      %select_n3A_57 = arith.select %eq3A_46, %broadcast_in_dim3A_56, %scan3A_40 : vector<16xi32>
      %mul3A_58 = arith.constant 2 : i32
      %mul3A_59 = arith.muli %add3A, %mul3A_58 : i32
      %div3A = arith.constant 4 : i32
      %div3A_60 = arith.divsi %mul3A_42, %div3A : i32
      %add3A_61 = arith.addi %mul3A_59, %div3A_60 : i32
      %rem3A_62 = arith.constant 4 : i32
      %rem3A_63 = arith.remsi %mul3A_42, %rem3A_62 : i32
      %mul3A_64 = arith.constant 2048 : i32
      %mul3A_65 = arith.muli %rem3A_63, %mul3A_64 : i32
      %dma_wait3A = arith.constant 0 : i32
      %dma_wait3A_66 = tpu.memref_slice %arg2[%add3A_61, %dma_wait3A, %mul3A_65] : memref<128x16x8192xf32, #tpu.memory_space<hbm>> -> memref<1x16x2048xf32, #tpu.memory_space<hbm>>
      %dma_wait3A_67 = tpu.memref_squeeze %dma_wait3A_66 : memref<1x16x2048xf32, #tpu.memory_space<hbm>> -> memref<16x2048xf32, #tpu.memory_space<hbm>>
      %dma_wait3A_68 = arith.constant 0 : i32
      %dma_wait3A_69 = tpu.memref_slice %arg2[%add3A_61, %dma_wait3A_68, %mul3A_65] : memref<128x16x8192xf32, #tpu.memory_space<hbm>> -> memref<1x16x2048xf32, #tpu.memory_space<hbm>>
      %dma_wait3A_70 = tpu.memref_squeeze %dma_wait3A_69 : memref<1x16x2048xf32, #tpu.memory_space<hbm>> -> memref<16x2048xf32, #tpu.memory_space<hbm>>
      tpu.wait_dma2 semaphore(%arg8 : memref<!tpu.dma_semaphore, #tpu.memory_space<semaphore_mem>>) src(%dma_wait3A_70 : memref<16x2048xf32, #tpu.memory_space<hbm>>) dst(%arg4 : memref<16x2048xf32, #tpu.memory_space<vmem>>)
      %rem3A_71 = arith.constant 4 : i32
      %rem3A_72 = arith.remsi %mul3A_42, %rem3A_71 : i32
      %mul3A_73 = arith.constant 2048 : i32
      %mul3A_74 = arith.muli %rem3A_72, %mul3A_73 : i32
      %scan3A_75 = arith.constant 0 : i32
      %scan3A_76 = arith.constant 64 : i32
      %scan3A_77 = arith.addi %scan3A_75, %scan3A_76 : i32
      %scan3A_78 = arith.constant 1 : i32
      %scan3A_79:4 = scf.for %scan3A_124 = %scan3A_75 to %scan3A_77 step %scan3A_78 iter_args(%scan3A_125 = %select_n3A, %scan3A_126 = %select_n3A_51, %scan3A_127 = %select_n3A_54, %scan3A_128 = %select_n3A_57) -> (vector<16xf32>, vector<16xf32>, vector<16xi32>, vector<16xi32>)  : i32 {
        %mul3A_129 = arith.constant 32 : i32
        %mul3A_130 = arith.muli %scan3A_124, %mul3A_129 : i32
        %add3A_131 = arith.constant 0 : i32
        %add3A_132 = arith.addi %mul3A_130, %add3A_131 : i32
        %get3A = arith.constant 0 : i32
        %get3A_133 = arith.index_cast %get3A : i32 to index
        %get3A_134 = arith.index_cast %add3A_132 : i32 to index
        %get3A_135 = tpu.vector_load %arg4[%get3A_133, %get3A_134] {strides = array<i32>} : memref<16x2048xf32, #tpu.memory_space<vmem>>, vector<16xf32>,
        %mul3A_136 = arith.constant 32 : i32
        %mul3A_137 = arith.muli %scan3A_124, %mul3A_136 : i32
        %add3A_138 = arith.constant 0 : i32
        %add3A_139 = arith.addi %mul3A_137, %add3A_138 : i32
        %get3A_140 = arith.constant 1 : i32
        %get3A_141 = arith.index_cast %get3A_140 : i32 to index
        %get3A_142 = arith.index_cast %add3A_139 : i32 to index
        %get3A_143 = tpu.vector_load %arg4[%get3A_141, %get3A_142] {strides = array<i32>} : memref<16x2048xf32, #tpu.memory_space<vmem>>, vector<16xf32>,
        %mul3A_144 = arith.constant 32 : i32
        %mul3A_145 = arith.muli %scan3A_124, %mul3A_144 : i32
        %add3A_146 = arith.constant 0 : i32
        %add3A_147 = arith.addi %mul3A_145, %add3A_146 : i32
        %get3A_148 = arith.constant 2 : i32
        %get3A_149 = arith.index_cast %get3A_148 : i32 to index
        %get3A_150 = arith.index_cast %add3A_147 : i32 to index
        %get3A_151 = tpu.vector_load %arg4[%get3A_149, %get3A_150] {strides = array<i32>} : memref<16x2048xf32, #tpu.memory_space<vmem>>, vector<16xf32>,
        %mul3A_152 = arith.constant 32 : i32
        %mul3A_153 = arith.muli %scan3A_124, %mul3A_152 : i32
        %add3A_154 = arith.constant 0 : i32
        %add3A_155 = arith.addi %mul3A_153, %add3A_154 : i32
        %get3A_156 = arith.constant 3 : i32
        %get3A_157 = arith.index_cast %get3A_156 : i32 to index
        %get3A_158 = arith.index_cast %add3A_155 : i32 to index
        %get3A_159 = tpu.vector_load %arg4[%get3A_157, %get3A_158] {strides = array<i32>} : memref<16x2048xf32, #tpu.memory_space<vmem>>, vector<16xf32>,
        %mul3A_160 = arith.constant 32 : i32
        %mul3A_161 = arith.muli %scan3A_124, %mul3A_160 : i32
        %add3A_162 = arith.constant 0 : i32
        %add3A_163 = arith.addi %mul3A_161, %add3A_162 : i32
        %get3A_164 = arith.constant 4 : i32
        %get3A_165 = arith.index_cast %get3A_164 : i32 to index
        %get3A_166 = arith.index_cast %add3A_163 : i32 to index
        %get3A_167 = tpu.vector_load %arg4[%get3A_165, %get3A_166] {strides = array<i32>} : memref<16x2048xf32, #tpu.memory_space<vmem>>, vector<16xf32>,
        %mul3A_168 = arith.constant 32 : i32
        %mul3A_169 = arith.muli %scan3A_124, %mul3A_168 : i32
        %add3A_170 = arith.constant 0 : i32
        %add3A_171 = arith.addi %mul3A_169, %add3A_170 : i32
        %get3A_172 = arith.constant 5 : i32
        %get3A_173 = arith.index_cast %get3A_172 : i32 to index
        %get3A_174 = arith.index_cast %add3A_171 : i32 to index
        %get3A_175 = tpu.vector_load %arg4[%get3A_173, %get3A_174] {strides = array<i32>} : memref<16x2048xf32, #tpu.memory_space<vmem>>, vector<16xf32>,
        %mul3A_176 = arith.constant 32 : i32
        %mul3A_177 = arith.muli %scan3A_124, %mul3A_176 : i32
        %add3A_178 = arith.constant 0 : i32
        %add3A_179 = arith.addi %mul3A_177, %add3A_178 : i32
        %get3A_180 = arith.constant 6 : i32
        %get3A_181 = arith.index_cast %get3A_180 : i32 to index
        %get3A_182 = arith.index_cast %add3A_179 : i32 to index
        %get3A_183 = tpu.vector_load %arg4[%get3A_181, %get3A_182] {strides = array<i32>} : memref<16x2048xf32, #tpu.memory_space<vmem>>, vector<16xf32>,
        %mul3A_184 = arith.constant 32 : i32
        %mul3A_185 = arith.muli %scan3A_124, %mul3A_184 : i32
        %add3A_186 = arith.constant 0 : i32
        %add3A_187 = arith.addi %mul3A_185, %add3A_186 : i32
        %get3A_188 = arith.constant 7 : i32
        %get3A_189 = arith.index_cast %get3A_188 : i32 to index
        %get3A_190 = arith.index_cast %add3A_187 : i32 to index
        %get3A_191 = tpu.vector_load %arg4[%get3A_189, %get3A_190] {strides = array<i32>} : memref<16x2048xf32, #tpu.memory_space<vmem>>, vector<16xf32>,
        %mul3A_192 = arith.constant 32 : i32
        %mul3A_193 = arith.muli %scan3A_124, %mul3A_192 : i32
        %add3A_194 = arith.constant 0 : i32
        %add3A_195 = arith.addi %mul3A_193, %add3A_194 : i32
        %get3A_196 = arith.constant 8 : i32
        %get3A_197 = arith.index_cast %get3A_196 : i32 to index
        %get3A_198 = arith.index_cast %add3A_195 : i32 to index
        %get3A_199 = tpu.vector_load %arg4[%get3A_197, %get3A_198] {strides = array<i32>} : memref<16x2048xf32, #tpu.memory_space<vmem>>, vector<16xf32>,
        %mul3A_200 = arith.constant 32 : i32
        %mul3A_201 = arith.muli %scan3A_124, %mul3A_200 : i32
        %add3A_202 = arith.constant 0 : i32
        %add3A_203 = arith.addi %mul3A_201, %add3A_202 : i32
        %get3A_204 = arith.constant 9 : i32
        %get3A_205 = arith.index_cast %get3A_204 : i32 to index
        %get3A_206 = arith.index_cast %add3A_203 : i32 to index
        %get3A_207 = tpu.vector_load %arg4[%get3A_205, %get3A_206] {strides = array<i32>} : memref<16x2048xf32, #tpu.memory_space<vmem>>, vector<16xf32>,
        %mul3A_208 = arith.constant 32 : i32
        %mul3A_209 = arith.muli %scan3A_124, %mul3A_208 : i32
        %add3A_210 = arith.constant 0 : i32
        %add3A_211 = arith.addi %mul3A_209, %add3A_210 : i32
        %get3A_212 = arith.constant 10 : i32
        %get3A_213 = arith.index_cast %get3A_212 : i32 to index
        %get3A_214 = arith.index_cast %add3A_211 : i32 to index
        %get3A_215 = tpu.vector_load %arg4[%get3A_213, %get3A_214] {strides = array<i32>} : memref<16x2048xf32, #tpu.memory_space<vmem>>, vector<16xf32>,
        %mul3A_216 = arith.constant 32 : i32
        %mul3A_217 = arith.muli %scan3A_124, %mul3A_216 : i32
        %add3A_218 = arith.constant 0 : i32
        %add3A_219 = arith.addi %mul3A_217, %add3A_218 : i32
        %get3A_220 = arith.constant 11 : i32
        %get3A_221 = arith.index_cast %get3A_220 : i32 to index
        %get3A_222 = arith.index_cast %add3A_219 : i32 to index
        %get3A_223 = tpu.vector_load %arg4[%get3A_221, %get3A_222] {strides = array<i32>} : memref<16x2048xf32, #tpu.memory_space<vmem>>, vector<16xf32>,
        %mul3A_224 = arith.constant 32 : i32
        %mul3A_225 = arith.muli %scan3A_124, %mul3A_224 : i32
        %add3A_226 = arith.constant 0 : i32
        %add3A_227 = arith.addi %mul3A_225, %add3A_226 : i32
        %get3A_228 = arith.constant 12 : i32
        %get3A_229 = arith.index_cast %get3A_228 : i32 to index
        %get3A_230 = arith.index_cast %add3A_227 : i32 to index
        %get3A_231 = tpu.vector_load %arg4[%get3A_229, %get3A_230] {strides = array<i32>} : memref<16x2048xf32, #tpu.memory_space<vmem>>, vector<16xf32>,
        %mul3A_232 = arith.constant 32 : i32
        %mul3A_233 = arith.muli %scan3A_124, %mul3A_232 : i32
        %add3A_234 = arith.constant 0 : i32
        %add3A_235 = arith.addi %mul3A_233, %add3A_234 : i32
        %get3A_236 = arith.constant 13 : i32
        %get3A_237 = arith.index_cast %get3A_236 : i32 to index
        %get3A_238 = arith.index_cast %add3A_235 : i32 to index
        %get3A_239 = tpu.vector_load %arg4[%get3A_237, %get3A_238] {strides = array<i32>} : memref<16x2048xf32, #tpu.memory_space<vmem>>, vector<16xf32>,
        %mul3A_240 = arith.constant 32 : i32
        %mul3A_241 = arith.muli %scan3A_124, %mul3A_240 : i32
        %add3A_242 = arith.constant 0 : i32
        %add3A_243 = arith.addi %mul3A_241, %add3A_242 : i32
        %get3A_244 = arith.constant 14 : i32
        %get3A_245 = arith.index_cast %get3A_244 : i32 to index
        %get3A_246 = arith.index_cast %add3A_243 : i32 to index
        %get3A_247 = tpu.vector_load %arg4[%get3A_245, %get3A_246] {strides = array<i32>} : memref<16x2048xf32, #tpu.memory_space<vmem>>, vector<16xf32>,
        %mul3A_248 = arith.constant 32 : i32
        %mul3A_249 = arith.muli %scan3A_124, %mul3A_248 : i32
        %add3A_250 = arith.constant 0 : i32
        %add3A_251 = arith.addi %mul3A_249, %add3A_250 : i32
        %get3A_252 = arith.constant 15 : i32
        %get3A_253 = arith.index_cast %get3A_252 : i32 to index
        %get3A_254 = arith.index_cast %add3A_251 : i32 to index
        %get3A_255 = tpu.vector_load %arg4[%get3A_253, %get3A_254] {strides = array<i32>} : memref<16x2048xf32, #tpu.memory_space<vmem>>, vector<16xf32>,
        %mul3A_256 = arith.mulf %get3A_135, %get3A_135 : vector<16xf32>
        %mul3A_257 = arith.mulf %get3A_143, %get3A_143 : vector<16xf32>
        %mul3A_258 = arith.mulf %get3A_151, %get3A_151 : vector<16xf32>
        %mul3A_259 = arith.mulf %get3A_159, %get3A_159 : vector<16xf32>
        %mul3A_260 = arith.mulf %get3A_167, %get3A_167 : vector<16xf32>
        %mul3A_261 = arith.mulf %get3A_175, %get3A_175 : vector<16xf32>
        %mul3A_262 = arith.mulf %get3A_183, %get3A_183 : vector<16xf32>
        %mul3A_263 = arith.mulf %get3A_191, %get3A_191 : vector<16xf32>
        %mul3A_264 = arith.mulf %get3A_199, %get3A_199 : vector<16xf32>
        %mul3A_265 = arith.mulf %get3A_207, %get3A_207 : vector<16xf32>
        %mul3A_266 = arith.mulf %get3A_215, %get3A_215 : vector<16xf32>
        %mul3A_267 = arith.mulf %get3A_223, %get3A_223 : vector<16xf32>
        %mul3A_268 = arith.mulf %get3A_231, %get3A_231 : vector<16xf32>
        %mul3A_269 = arith.mulf %get3A_239, %get3A_239 : vector<16xf32>
        %mul3A_270 = arith.mulf %get3A_247, %get3A_247 : vector<16xf32>
        %mul3A_271 = arith.mulf %get3A_255, %get3A_255 : vector<16xf32>
        %add3A_272 = arith.addf %mul3A_256, %mul3A_257 : vector<16xf32>
        %add3A_273 = arith.addf %mul3A_258, %mul3A_259 : vector<16xf32>
        %add3A_274 = arith.addf %mul3A_260, %mul3A_261 : vector<16xf32>
        %add3A_275 = arith.addf %mul3A_262, %mul3A_263 : vector<16xf32>
        %add3A_276 = arith.addf %mul3A_264, %mul3A_265 : vector<16xf32>
        %add3A_277 = arith.addf %mul3A_266, %mul3A_267 : vector<16xf32>
        %add3A_278 = arith.addf %mul3A_268, %mul3A_269 : vector<16xf32>
        %add3A_279 = arith.addf %mul3A_270, %mul3A_271 : vector<16xf32>
        %add3A_280 = arith.addf %add3A_272, %add3A_273 : vector<16xf32>
        %add3A_281 = arith.addf %add3A_274, %add3A_275 : vector<16xf32>
        %add3A_282 = arith.addf %add3A_276, %add3A_277 : vector<16xf32>
        %add3A_283 = arith.addf %add3A_278, %add3A_279 : vector<16xf32>
        %add3A_284 = arith.addf %add3A_280, %add3A_281 : vector<16xf32>
        %add3A_285 = arith.addf %add3A_282, %add3A_283 : vector<16xf32>
        %add3A_286 = arith.addf %add3A_284, %add3A_285 : vector<16xf32>
        %add3A_287 = arith.constant 0 : i32
        %add3A_288 = arith.addi %mul3A_74, %add3A_287 : i32
        %add3A_289 = vector.broadcast %add3A_288 : i32 to vector<16xi32>
        %add3A_290 = arith.addi %iota3A, %add3A_289 : vector<16xi32>
        %mul3A_291 = arith.constant 32 : i32
        %mul3A_292 = arith.muli %scan3A_124, %mul3A_291 : i32
        %add3A_293 = vector.broadcast %mul3A_292 : i32 to vector<16xi32>
        %add3A_294 = arith.addi %add3A_290, %add3A_293 : vector<16xi32>
        %gt3A = arith.cmpf ogt, %add3A_286, %scan3A_125 : vector<16xf32>
        %select_n3A_295 = arith.select %gt3A, %add3A_286, %scan3A_125 : vector<16xi1>, vector<16xf32>
        %select_n3A_296 = arith.select %gt3A, %add3A_294, %scan3A_127 : vector<16xi1>, vector<16xi32>
        %mul3A_297 = arith.constant 32 : i32
        %mul3A_298 = arith.muli %scan3A_124, %mul3A_297 : i32
        %add3A_299 = arith.constant 16 : i32
        %add3A_300 = arith.addi %mul3A_298, %add3A_299 : i32
        %get3A_301 = arith.constant 0 : i32
        %get3A_302 = arith.index_cast %get3A_301 : i32 to index
        %get3A_303 = arith.index_cast %add3A_300 : i32 to index
        %get3A_304 = tpu.vector_load %arg4[%get3A_302, %get3A_303] {strides = array<i32>} : memref<16x2048xf32, #tpu.memory_space<vmem>>, vector<16xf32>,
        %mul3A_305 = arith.constant 32 : i32
        %mul3A_306 = arith.muli %scan3A_124, %mul3A_305 : i32
        %add3A_307 = arith.constant 16 : i32
        %add3A_308 = arith.addi %mul3A_306, %add3A_307 : i32
        %get3A_309 = arith.constant 1 : i32
        %get3A_310 = arith.index_cast %get3A_309 : i32 to index
        %get3A_311 = arith.index_cast %add3A_308 : i32 to index
        %get3A_312 = tpu.vector_load %arg4[%get3A_310, %get3A_311] {strides = array<i32>} : memref<16x2048xf32, #tpu.memory_space<vmem>>, vector<16xf32>,
        %mul3A_313 = arith.constant 32 : i32
        %mul3A_314 = arith.muli %scan3A_124, %mul3A_313 : i32
        %add3A_315 = arith.constant 16 : i32
        %add3A_316 = arith.addi %mul3A_314, %add3A_315 : i32
        %get3A_317 = arith.constant 2 : i32
        %get3A_318 = arith.index_cast %get3A_317 : i32 to index
        %get3A_319 = arith.index_cast %add3A_316 : i32 to index
        %get3A_320 = tpu.vector_load %arg4[%get3A_318, %get3A_319] {strides = array<i32>} : memref<16x2048xf32, #tpu.memory_space<vmem>>, vector<16xf32>,
        %mul3A_321 = arith.constant 32 : i32
        %mul3A_322 = arith.muli %scan3A_124, %mul3A_321 : i32
        %add3A_323 = arith.constant 16 : i32
        %add3A_324 = arith.addi %mul3A_322, %add3A_323 : i32
        %get3A_325 = arith.constant 3 : i32
        %get3A_326 = arith.index_cast %get3A_325 : i32 to index
        %get3A_327 = arith.index_cast %add3A_324 : i32 to index
        %get3A_328 = tpu.vector_load %arg4[%get3A_326, %get3A_327] {strides = array<i32>} : memref<16x2048xf32, #tpu.memory_space<vmem>>, vector<16xf32>,
        %mul3A_329 = arith.constant 32 : i32
        %mul3A_330 = arith.muli %scan3A_124, %mul3A_329 : i32
        %add3A_331 = arith.constant 16 : i32
        %add3A_332 = arith.addi %mul3A_330, %add3A_331 : i32
        %get3A_333 = arith.constant 4 : i32
        %get3A_334 = arith.index_cast %get3A_333 : i32 to index
        %get3A_335 = arith.index_cast %add3A_332 : i32 to index
        %get3A_336 = tpu.vector_load %arg4[%get3A_334, %get3A_335] {strides = array<i32>} : memref<16x2048xf32, #tpu.memory_space<vmem>>, vector<16xf32>,
        %mul3A_337 = arith.constant 32 : i32
        %mul3A_338 = arith.muli %scan3A_124, %mul3A_337 : i32
        %add3A_339 = arith.constant 16 : i32
        %add3A_340 = arith.addi %mul3A_338, %add3A_339 : i32
        %get3A_341 = arith.constant 5 : i32
        %get3A_342 = arith.index_cast %get3A_341 : i32 to index
        %get3A_343 = arith.index_cast %add3A_340 : i32 to index
        %get3A_344 = tpu.vector_load %arg4[%get3A_342, %get3A_343] {strides = array<i32>} : memref<16x2048xf32, #tpu.memory_space<vmem>>, vector<16xf32>,
        %mul3A_345 = arith.constant 32 : i32
        %mul3A_346 = arith.muli %scan3A_124, %mul3A_345 : i32
        %add3A_347 = arith.constant 16 : i32
        %add3A_348 = arith.addi %mul3A_346, %add3A_347 : i32
        %get3A_349 = arith.constant 6 : i32
        %get3A_350 = arith.index_cast %get3A_349 : i32 to index
        %get3A_351 = arith.index_cast %add3A_348 : i32 to index
        %get3A_352 = tpu.vector_load %arg4[%get3A_350, %get3A_351] {strides = array<i32>} : memref<16x2048xf32, #tpu.memory_space<vmem>>, vector<16xf32>,
        %mul3A_353 = arith.constant 32 : i32
        %mul3A_354 = arith.muli %scan3A_124, %mul3A_353 : i32
        %add3A_355 = arith.constant 16 : i32
        %add3A_356 = arith.addi %mul3A_354, %add3A_355 : i32
        %get3A_357 = arith.constant 7 : i32
        %get3A_358 = arith.index_cast %get3A_357 : i32 to index
        %get3A_359 = arith.index_cast %add3A_356 : i32 to index
        %get3A_360 = tpu.vector_load %arg4[%get3A_358, %get3A_359] {strides = array<i32>} : memref<16x2048xf32, #tpu.memory_space<vmem>>, vector<16xf32>,
        %mul3A_361 = arith.constant 32 : i32
        %mul3A_362 = arith.muli %scan3A_124, %mul3A_361 : i32
        %add3A_363 = arith.constant 16 : i32
        %add3A_364 = arith.addi %mul3A_362, %add3A_363 : i32
        %get3A_365 = arith.constant 8 : i32
        %get3A_366 = arith.index_cast %get3A_365 : i32 to index
        %get3A_367 = arith.index_cast %add3A_364 : i32 to index
        %get3A_368 = tpu.vector_load %arg4[%get3A_366, %get3A_367] {strides = array<i32>} : memref<16x2048xf32, #tpu.memory_space<vmem>>, vector<16xf32>,
        %mul3A_369 = arith.constant 32 : i32
        %mul3A_370 = arith.muli %scan3A_124, %mul3A_369 : i32
        %add3A_371 = arith.constant 16 : i32
        %add3A_372 = arith.addi %mul3A_370, %add3A_371 : i32
        %get3A_373 = arith.constant 9 : i32
        %get3A_374 = arith.index_cast %get3A_373 : i32 to index
        %get3A_375 = arith.index_cast %add3A_372 : i32 to index
        %get3A_376 = tpu.vector_load %arg4[%get3A_374, %get3A_375] {strides = array<i32>} : memref<16x2048xf32, #tpu.memory_space<vmem>>, vector<16xf32>,
        %mul3A_377 = arith.constant 32 : i32
        %mul3A_378 = arith.muli %scan3A_124, %mul3A_377 : i32
        %add3A_379 = arith.constant 16 : i32
        %add3A_380 = arith.addi %mul3A_378, %add3A_379 : i32
        %get3A_381 = arith.constant 10 : i32
        %get3A_382 = arith.index_cast %get3A_381 : i32 to index
        %get3A_383 = arith.index_cast %add3A_380 : i32 to index
        %get3A_384 = tpu.vector_load %arg4[%get3A_382, %get3A_383] {strides = array<i32>} : memref<16x2048xf32, #tpu.memory_space<vmem>>, vector<16xf32>,
        %mul3A_385 = arith.constant 32 : i32
        %mul3A_386 = arith.muli %scan3A_124, %mul3A_385 : i32
        %add3A_387 = arith.constant 16 : i32
        %add3A_388 = arith.addi %mul3A_386, %add3A_387 : i32
        %get3A_389 = arith.constant 11 : i32
        %get3A_390 = arith.index_cast %get3A_389 : i32 to index
        %get3A_391 = arith.index_cast %add3A_388 : i32 to index
        %get3A_392 = tpu.vector_load %arg4[%get3A_390, %get3A_391] {strides = array<i32>} : memref<16x2048xf32, #tpu.memory_space<vmem>>, vector<16xf32>,
        %mul3A_393 = arith.constant 32 : i32
        %mul3A_394 = arith.muli %scan3A_124, %mul3A_393 : i32
        %add3A_395 = arith.constant 16 : i32
        %add3A_396 = arith.addi %mul3A_394, %add3A_395 : i32
        %get3A_397 = arith.constant 12 : i32
        %get3A_398 = arith.index_cast %get3A_397 : i32 to index
        %get3A_399 = arith.index_cast %add3A_396 : i32 to index
        %get3A_400 = tpu.vector_load %arg4[%get3A_398, %get3A_399] {strides = array<i32>} : memref<16x2048xf32, #tpu.memory_space<vmem>>, vector<16xf32>,
        %mul3A_401 = arith.constant 32 : i32
        %mul3A_402 = arith.muli %scan3A_124, %mul3A_401 : i32
        %add3A_403 = arith.constant 16 : i32
        %add3A_404 = arith.addi %mul3A_402, %add3A_403 : i32
        %get3A_405 = arith.constant 13 : i32
        %get3A_406 = arith.index_cast %get3A_405 : i32 to index
        %get3A_407 = arith.index_cast %add3A_404 : i32 to index
        %get3A_408 = tpu.vector_load %arg4[%get3A_406, %get3A_407] {strides = array<i32>} : memref<16x2048xf32, #tpu.memory_space<vmem>>, vector<16xf32>,
        %mul3A_409 = arith.constant 32 : i32
        %mul3A_410 = arith.muli %scan3A_124, %mul3A_409 : i32
        %add3A_411 = arith.constant 16 : i32
        %add3A_412 = arith.addi %mul3A_410, %add3A_411 : i32
        %get3A_413 = arith.constant 14 : i32
        %get3A_414 = arith.index_cast %get3A_413 : i32 to index
        %get3A_415 = arith.index_cast %add3A_412 : i32 to index
        %get3A_416 = tpu.vector_load %arg4[%get3A_414, %get3A_415] {strides = array<i32>} : memref<16x2048xf32, #tpu.memory_space<vmem>>, vector<16xf32>,
        %mul3A_417 = arith.constant 32 : i32
        %mul3A_418 = arith.muli %scan3A_124, %mul3A_417 : i32
        %add3A_419 = arith.constant 16 : i32
        %add3A_420 = arith.addi %mul3A_418, %add3A_419 : i32
        %get3A_421 = arith.constant 15 : i32
        %get3A_422 = arith.index_cast %get3A_421 : i32 to index
        %get3A_423 = arith.index_cast %add3A_420 : i32 to index
        %get3A_424 = tpu.vector_load %arg4[%get3A_422, %get3A_423] {strides = array<i32>} : memref<16x2048xf32, #tpu.memory_space<vmem>>, vector<16xf32>,
        %mul3A_425 = arith.mulf %get3A_304, %get3A_304 : vector<16xf32>
        %mul3A_426 = arith.mulf %get3A_312, %get3A_312 : vector<16xf32>
        %mul3A_427 = arith.mulf %get3A_320, %get3A_320 : vector<16xf32>
        %mul3A_428 = arith.mulf %get3A_328, %get3A_328 : vector<16xf32>
        %mul3A_429 = arith.mulf %get3A_336, %get3A_336 : vector<16xf32>
        %mul3A_430 = arith.mulf %get3A_344, %get3A_344 : vector<16xf32>
        %mul3A_431 = arith.mulf %get3A_352, %get3A_352 : vector<16xf32>
        %mul3A_432 = arith.mulf %get3A_360, %get3A_360 : vector<16xf32>
        %mul3A_433 = arith.mulf %get3A_368, %get3A_368 : vector<16xf32>
        %mul3A_434 = arith.mulf %get3A_376, %get3A_376 : vector<16xf32>
        %mul3A_435 = arith.mulf %get3A_384, %get3A_384 : vector<16xf32>
        %mul3A_436 = arith.mulf %get3A_392, %get3A_392 : vector<16xf32>
        %mul3A_437 = arith.mulf %get3A_400, %get3A_400 : vector<16xf32>
        %mul3A_438 = arith.mulf %get3A_408, %get3A_408 : vector<16xf32>
        %mul3A_439 = arith.mulf %get3A_416, %get3A_416 : vector<16xf32>
        %mul3A_440 = arith.mulf %get3A_424, %get3A_424 : vector<16xf32>
        %add3A_441 = arith.addf %mul3A_425, %mul3A_426 : vector<16xf32>
        %add3A_442 = arith.addf %mul3A_427, %mul3A_428 : vector<16xf32>
        %add3A_443 = arith.addf %mul3A_429, %mul3A_430 : vector<16xf32>
        %add3A_444 = arith.addf %mul3A_431, %mul3A_432 : vector<16xf32>
        %add3A_445 = arith.addf %mul3A_433, %mul3A_434 : vector<16xf32>
        %add3A_446 = arith.addf %mul3A_435, %mul3A_436 : vector<16xf32>
        %add3A_447 = arith.addf %mul3A_437, %mul3A_438 : vector<16xf32>
        %add3A_448 = arith.addf %mul3A_439, %mul3A_440 : vector<16xf32>
        %add3A_449 = arith.addf %add3A_441, %add3A_442 : vector<16xf32>
        %add3A_450 = arith.addf %add3A_443, %add3A_444 : vector<16xf32>
        %add3A_451 = arith.addf %add3A_445, %add3A_446 : vector<16xf32>
        %add3A_452 = arith.addf %add3A_447, %add3A_448 : vector<16xf32>
        %add3A_453 = arith.addf %add3A_449, %add3A_450 : vector<16xf32>
        %add3A_454 = arith.addf %add3A_451, %add3A_452 : vector<16xf32>
        %add3A_455 = arith.addf %add3A_453, %add3A_454 : vector<16xf32>
        %add3A_456 = arith.constant 16 : i32
        %add3A_457 = arith.addi %mul3A_74, %add3A_456 : i32
        %add3A_458 = vector.broadcast %add3A_457 : i32 to vector<16xi32>
        %add3A_459 = arith.addi %iota3A, %add3A_458 : vector<16xi32>
        %mul3A_460 = arith.constant 32 : i32
        %mul3A_461 = arith.muli %scan3A_124, %mul3A_460 : i32
        %add3A_462 = vector.broadcast %mul3A_461 : i32 to vector<16xi32>
        %add3A_463 = arith.addi %add3A_459, %add3A_462 : vector<16xi32>
        %gt3A_464 = arith.cmpf ogt, %add3A_455, %scan3A_126 : vector<16xf32>
        %select_n3A_465 = arith.select %gt3A_464, %add3A_455, %scan3A_126 : vector<16xi1>, vector<16xf32>
        %select_n3A_466 = arith.select %gt3A_464, %add3A_463, %scan3A_128 : vector<16xi1>, vector<16xi32>
        scf.yield %select_n3A_295, %select_n3A_465, %select_n3A_296, %select_n3A_466 : vector<16xf32>, vector<16xf32>, vector<16xi32>, vector<16xi32>
      }
      %scan3A_80 = arith.constant 64 : i32
      %add3A_81 = arith.constant 2 : i32
      %add3A_82 = arith.addi %mul3A_42, %add3A_81 : i32
      %lt3A = arith.constant 8 : i32
      %lt3A_83 = arith.cmpi slt, %add3A_82, %lt3A : i32
      %convert_element_type3A = arith.extui %lt3A_83 : i1 to i32
      %cond3A = arith.constant 0 : i32
      %cond3A_84 = arith.cmpi ne, %convert_element_type3A, %cond3A : i32
      scf.if %cond3A_84 {
        %add3A_124 = arith.constant 2 : i32
        %add3A_125 = arith.addi %mul3A_42, %add3A_124 : i32
        %mul3A_126 = arith.constant 2 : i32
        %mul3A_127 = arith.muli %add3A, %mul3A_126 : i32
        %div3A_128 = arith.constant 4 : i32
        %div3A_129 = arith.divsi %add3A_125, %div3A_128 : i32
        %add3A_130 = arith.addi %mul3A_127, %div3A_129 : i32
        %rem3A_131 = arith.constant 4 : i32
        %rem3A_132 = arith.remsi %add3A_125, %rem3A_131 : i32
        %mul3A_133 = arith.constant 2048 : i32
        %mul3A_134 = arith.muli %rem3A_132, %mul3A_133 : i32
        %dma_start3A_135 = arith.constant 0 : i32
        %dma_start3A_136 = tpu.memref_slice %arg2[%add3A_130, %dma_start3A_135, %mul3A_134] : memref<128x16x8192xf32, #tpu.memory_space<hbm>> -> memref<1x16x2048xf32, #tpu.memory_space<hbm>>
        %dma_start3A_137 = tpu.memref_squeeze %dma_start3A_136 : memref<1x16x2048xf32, #tpu.memory_space<hbm>> -> memref<16x2048xf32, #tpu.memory_space<hbm>>
        %dma_start3A_138 = arith.constant 0 : i32
        %dma_start3A_139 = tpu.memref_slice %arg2[%add3A_130, %dma_start3A_138, %mul3A_134] : memref<128x16x8192xf32, #tpu.memory_space<hbm>> -> memref<1x16x2048xf32, #tpu.memory_space<hbm>>
        %dma_start3A_140 = tpu.memref_squeeze %dma_start3A_139 : memref<1x16x2048xf32, #tpu.memory_space<hbm>> -> memref<16x2048xf32, #tpu.memory_space<hbm>>
        tpu.enqueue_dma source(%dma_start3A_140 : memref<16x2048xf32, #tpu.memory_space<hbm>>) target(%arg4 : memref<16x2048xf32, #tpu.memory_space<vmem>>) target_semaphore(%arg8 : memref<!tpu.dma_semaphore, #tpu.memory_space<semaphore_mem>>)
      } else {
      }
      %mul3A_85 = arith.constant 2 : i32
      %mul3A_86 = arith.muli %add3A, %mul3A_85 : i32
      %div3A_87 = arith.constant 4 : i32
      %div3A_88 = arith.divsi %add3A_44, %div3A_87 : i32
      %add3A_89 = arith.addi %mul3A_86, %div3A_88 : i32
      %rem3A_90 = arith.constant 4 : i32
      %rem3A_91 = arith.remsi %add3A_44, %rem3A_90 : i32
      %mul3A_92 = arith.constant 2048 : i32
      %mul3A_93 = arith.muli %rem3A_91, %mul3A_92 : i32
      %dma_wait3A_94 = arith.constant 0 : i32
      %dma_wait3A_95 = tpu.memref_slice %arg2[%add3A_89, %dma_wait3A_94, %mul3A_93] : memref<128x16x8192xf32, #tpu.memory_space<hbm>> -> memref<1x16x2048xf32, #tpu.memory_space<hbm>>
      %dma_wait3A_96 = tpu.memref_squeeze %dma_wait3A_95 : memref<1x16x2048xf32, #tpu.memory_space<hbm>> -> memref<16x2048xf32, #tpu.memory_space<hbm>>
      %dma_wait3A_97 = arith.constant 0 : i32
      %dma_wait3A_98 = tpu.memref_slice %arg2[%add3A_89, %dma_wait3A_97, %mul3A_93] : memref<128x16x8192xf32, #tpu.memory_space<hbm>> -> memref<1x16x2048xf32, #tpu.memory_space<hbm>>
      %dma_wait3A_99 = tpu.memref_squeeze %dma_wait3A_98 : memref<1x16x2048xf32, #tpu.memory_space<hbm>> -> memref<16x2048xf32, #tpu.memory_space<hbm>>
      tpu.wait_dma2 semaphore(%arg9 : memref<!tpu.dma_semaphore, #tpu.memory_space<semaphore_mem>>) src(%dma_wait3A_99 : memref<16x2048xf32, #tpu.memory_space<hbm>>) dst(%arg5 : memref<16x2048xf32, #tpu.memory_space<vmem>>)
      %rem3A_100 = arith.constant 4 : i32
      %rem3A_101 = arith.remsi %add3A_44, %rem3A_100 : i32
      %mul3A_102 = arith.constant 2048 : i32
      %mul3A_103 = arith.muli %rem3A_101, %mul3A_102 : i32
      %scan3A_104 = arith.constant 0 : i32
      %scan3A_105 = arith.constant 64 : i32
      %scan3A_106 = arith.addi %scan3A_104, %scan3A_105 : i32
      %scan3A_107 = arith.constant 1 : i32
      %scan3A_108:4 = scf.for %scan3A_124 = %scan3A_104 to %scan3A_106 step %scan3A_107 iter_args(%scan3A_125 = %scan3A_79#0, %scan3A_126 = %scan3A_79#1, %scan3A_127 = %scan3A_79#2, %scan3A_128 = %scan3A_79#3) -> (vector<16xf32>, vector<16xf32>, vector<16xi32>, vector<16xi32>)  : i32 {
        %mul3A_129 = arith.constant 32 : i32
        %mul3A_130 = arith.muli %scan3A_124, %mul3A_129 : i32
        %add3A_131 = arith.constant 0 : i32
        %add3A_132 = arith.addi %mul3A_130, %add3A_131 : i32
        %get3A = arith.constant 0 : i32
        %get3A_133 = arith.index_cast %get3A : i32 to index
        %get3A_134 = arith.index_cast %add3A_132 : i32 to index
        %get3A_135 = tpu.vector_load %arg5[%get3A_133, %get3A_134] {strides = array<i32>} : memref<16x2048xf32, #tpu.memory_space<vmem>>, vector<16xf32>,
        %mul3A_136 = arith.constant 32 : i32
        %mul3A_137 = arith.muli %scan3A_124, %mul3A_136 : i32
        %add3A_138 = arith.constant 0 : i32
        %add3A_139 = arith.addi %mul3A_137, %add3A_138 : i32
        %get3A_140 = arith.constant 1 : i32
        %get3A_141 = arith.index_cast %get3A_140 : i32 to index
        %get3A_142 = arith.index_cast %add3A_139 : i32 to index
        %get3A_143 = tpu.vector_load %arg5[%get3A_141, %get3A_142] {strides = array<i32>} : memref<16x2048xf32, #tpu.memory_space<vmem>>, vector<16xf32>,
        %mul3A_144 = arith.constant 32 : i32
        %mul3A_145 = arith.muli %scan3A_124, %mul3A_144 : i32
        %add3A_146 = arith.constant 0 : i32
        %add3A_147 = arith.addi %mul3A_145, %add3A_146 : i32
        %get3A_148 = arith.constant 2 : i32
        %get3A_149 = arith.index_cast %get3A_148 : i32 to index
        %get3A_150 = arith.index_cast %add3A_147 : i32 to index
        %get3A_151 = tpu.vector_load %arg5[%get3A_149, %get3A_150] {strides = array<i32>} : memref<16x2048xf32, #tpu.memory_space<vmem>>, vector<16xf32>,
        %mul3A_152 = arith.constant 32 : i32
        %mul3A_153 = arith.muli %scan3A_124, %mul3A_152 : i32
        %add3A_154 = arith.constant 0 : i32
        %add3A_155 = arith.addi %mul3A_153, %add3A_154 : i32
        %get3A_156 = arith.constant 3 : i32
        %get3A_157 = arith.index_cast %get3A_156 : i32 to index
        %get3A_158 = arith.index_cast %add3A_155 : i32 to index
        %get3A_159 = tpu.vector_load %arg5[%get3A_157, %get3A_158] {strides = array<i32>} : memref<16x2048xf32, #tpu.memory_space<vmem>>, vector<16xf32>,
        %mul3A_160 = arith.constant 32 : i32
        %mul3A_161 = arith.muli %scan3A_124, %mul3A_160 : i32
        %add3A_162 = arith.constant 0 : i32
        %add3A_163 = arith.addi %mul3A_161, %add3A_162 : i32
        %get3A_164 = arith.constant 4 : i32
        %get3A_165 = arith.index_cast %get3A_164 : i32 to index
        %get3A_166 = arith.index_cast %add3A_163 : i32 to index
        %get3A_167 = tpu.vector_load %arg5[%get3A_165, %get3A_166] {strides = array<i32>} : memref<16x2048xf32, #tpu.memory_space<vmem>>, vector<16xf32>,
        %mul3A_168 = arith.constant 32 : i32
        %mul3A_169 = arith.muli %scan3A_124, %mul3A_168 : i32
        %add3A_170 = arith.constant 0 : i32
        %add3A_171 = arith.addi %mul3A_169, %add3A_170 : i32
        %get3A_172 = arith.constant 5 : i32
        %get3A_173 = arith.index_cast %get3A_172 : i32 to index
        %get3A_174 = arith.index_cast %add3A_171 : i32 to index
        %get3A_175 = tpu.vector_load %arg5[%get3A_173, %get3A_174] {strides = array<i32>} : memref<16x2048xf32, #tpu.memory_space<vmem>>, vector<16xf32>,
        %mul3A_176 = arith.constant 32 : i32
        %mul3A_177 = arith.muli %scan3A_124, %mul3A_176 : i32
        %add3A_178 = arith.constant 0 : i32
        %add3A_179 = arith.addi %mul3A_177, %add3A_178 : i32
        %get3A_180 = arith.constant 6 : i32
        %get3A_181 = arith.index_cast %get3A_180 : i32 to index
        %get3A_182 = arith.index_cast %add3A_179 : i32 to index
        %get3A_183 = tpu.vector_load %arg5[%get3A_181, %get3A_182] {strides = array<i32>} : memref<16x2048xf32, #tpu.memory_space<vmem>>, vector<16xf32>,
        %mul3A_184 = arith.constant 32 : i32
        %mul3A_185 = arith.muli %scan3A_124, %mul3A_184 : i32
        %add3A_186 = arith.constant 0 : i32
        %add3A_187 = arith.addi %mul3A_185, %add3A_186 : i32
        %get3A_188 = arith.constant 7 : i32
        %get3A_189 = arith.index_cast %get3A_188 : i32 to index
        %get3A_190 = arith.index_cast %add3A_187 : i32 to index
        %get3A_191 = tpu.vector_load %arg5[%get3A_189, %get3A_190] {strides = array<i32>} : memref<16x2048xf32, #tpu.memory_space<vmem>>, vector<16xf32>,
        %mul3A_192 = arith.constant 32 : i32
        %mul3A_193 = arith.muli %scan3A_124, %mul3A_192 : i32
        %add3A_194 = arith.constant 0 : i32
        %add3A_195 = arith.addi %mul3A_193, %add3A_194 : i32
        %get3A_196 = arith.constant 8 : i32
        %get3A_197 = arith.index_cast %get3A_196 : i32 to index
        %get3A_198 = arith.index_cast %add3A_195 : i32 to index
        %get3A_199 = tpu.vector_load %arg5[%get3A_197, %get3A_198] {strides = array<i32>} : memref<16x2048xf32, #tpu.memory_space<vmem>>, vector<16xf32>,
        %mul3A_200 = arith.constant 32 : i32
        %mul3A_201 = arith.muli %scan3A_124, %mul3A_200 : i32
        %add3A_202 = arith.constant 0 : i32
        %add3A_203 = arith.addi %mul3A_201, %add3A_202 : i32
        %get3A_204 = arith.constant 9 : i32
        %get3A_205 = arith.index_cast %get3A_204 : i32 to index
        %get3A_206 = arith.index_cast %add3A_203 : i32 to index
        %get3A_207 = tpu.vector_load %arg5[%get3A_205, %get3A_206] {strides = array<i32>} : memref<16x2048xf32, #tpu.memory_space<vmem>>, vector<16xf32>,
        %mul3A_208 = arith.constant 32 : i32
        %mul3A_209 = arith.muli %scan3A_124, %mul3A_208 : i32
        %add3A_210 = arith.constant 0 : i32
        %add3A_211 = arith.addi %mul3A_209, %add3A_210 : i32
        %get3A_212 = arith.constant 10 : i32
        %get3A_213 = arith.index_cast %get3A_212 : i32 to index
        %get3A_214 = arith.index_cast %add3A_211 : i32 to index
        %get3A_215 = tpu.vector_load %arg5[%get3A_213, %get3A_214] {strides = array<i32>} : memref<16x2048xf32, #tpu.memory_space<vmem>>, vector<16xf32>,
        %mul3A_216 = arith.constant 32 : i32
        %mul3A_217 = arith.muli %scan3A_124, %mul3A_216 : i32
        %add3A_218 = arith.constant 0 : i32
        %add3A_219 = arith.addi %mul3A_217, %add3A_218 : i32
        %get3A_220 = arith.constant 11 : i32
        %get3A_221 = arith.index_cast %get3A_220 : i32 to index
        %get3A_222 = arith.index_cast %add3A_219 : i32 to index
        %get3A_223 = tpu.vector_load %arg5[%get3A_221, %get3A_222] {strides = array<i32>} : memref<16x2048xf32, #tpu.memory_space<vmem>>, vector<16xf32>,
        %mul3A_224 = arith.constant 32 : i32
        %mul3A_225 = arith.muli %scan3A_124, %mul3A_224 : i32
        %add3A_226 = arith.constant 0 : i32
        %add3A_227 = arith.addi %mul3A_225, %add3A_226 : i32
        %get3A_228 = arith.constant 12 : i32
        %get3A_229 = arith.index_cast %get3A_228 : i32 to index
        %get3A_230 = arith.index_cast %add3A_227 : i32 to index
        %get3A_231 = tpu.vector_load %arg5[%get3A_229, %get3A_230] {strides = array<i32>} : memref<16x2048xf32, #tpu.memory_space<vmem>>, vector<16xf32>,
        %mul3A_232 = arith.constant 32 : i32
        %mul3A_233 = arith.muli %scan3A_124, %mul3A_232 : i32
        %add3A_234 = arith.constant 0 : i32
        %add3A_235 = arith.addi %mul3A_233, %add3A_234 : i32
        %get3A_236 = arith.constant 13 : i32
        %get3A_237 = arith.index_cast %get3A_236 : i32 to index
        %get3A_238 = arith.index_cast %add3A_235 : i32 to index
        %get3A_239 = tpu.vector_load %arg5[%get3A_237, %get3A_238] {strides = array<i32>} : memref<16x2048xf32, #tpu.memory_space<vmem>>, vector<16xf32>,
        %mul3A_240 = arith.constant 32 : i32
        %mul3A_241 = arith.muli %scan3A_124, %mul3A_240 : i32
        %add3A_242 = arith.constant 0 : i32
        %add3A_243 = arith.addi %mul3A_241, %add3A_242 : i32
        %get3A_244 = arith.constant 14 : i32
        %get3A_245 = arith.index_cast %get3A_244 : i32 to index
        %get3A_246 = arith.index_cast %add3A_243 : i32 to index
        %get3A_247 = tpu.vector_load %arg5[%get3A_245, %get3A_246] {strides = array<i32>} : memref<16x2048xf32, #tpu.memory_space<vmem>>, vector<16xf32>,
        %mul3A_248 = arith.constant 32 : i32
        %mul3A_249 = arith.muli %scan3A_124, %mul3A_248 : i32
        %add3A_250 = arith.constant 0 : i32
        %add3A_251 = arith.addi %mul3A_249, %add3A_250 : i32
        %get3A_252 = arith.constant 15 : i32
        %get3A_253 = arith.index_cast %get3A_252 : i32 to index
        %get3A_254 = arith.index_cast %add3A_251 : i32 to index
        %get3A_255 = tpu.vector_load %arg5[%get3A_253, %get3A_254] {strides = array<i32>} : memref<16x2048xf32, #tpu.memory_space<vmem>>, vector<16xf32>,
        %mul3A_256 = arith.mulf %get3A_135, %get3A_135 : vector<16xf32>
        %mul3A_257 = arith.mulf %get3A_143, %get3A_143 : vector<16xf32>
        %mul3A_258 = arith.mulf %get3A_151, %get3A_151 : vector<16xf32>
        %mul3A_259 = arith.mulf %get3A_159, %get3A_159 : vector<16xf32>
        %mul3A_260 = arith.mulf %get3A_167, %get3A_167 : vector<16xf32>
        %mul3A_261 = arith.mulf %get3A_175, %get3A_175 : vector<16xf32>
        %mul3A_262 = arith.mulf %get3A_183, %get3A_183 : vector<16xf32>
        %mul3A_263 = arith.mulf %get3A_191, %get3A_191 : vector<16xf32>
        %mul3A_264 = arith.mulf %get3A_199, %get3A_199 : vector<16xf32>
        %mul3A_265 = arith.mulf %get3A_207, %get3A_207 : vector<16xf32>
        %mul3A_266 = arith.mulf %get3A_215, %get3A_215 : vector<16xf32>
        %mul3A_267 = arith.mulf %get3A_223, %get3A_223 : vector<16xf32>
        %mul3A_268 = arith.mulf %get3A_231, %get3A_231 : vector<16xf32>
        %mul3A_269 = arith.mulf %get3A_239, %get3A_239 : vector<16xf32>
        %mul3A_270 = arith.mulf %get3A_247, %get3A_247 : vector<16xf32>
        %mul3A_271 = arith.mulf %get3A_255, %get3A_255 : vector<16xf32>
        %add3A_272 = arith.addf %mul3A_256, %mul3A_257 : vector<16xf32>
        %add3A_273 = arith.addf %mul3A_258, %mul3A_259 : vector<16xf32>
        %add3A_274 = arith.addf %mul3A_260, %mul3A_261 : vector<16xf32>
        %add3A_275 = arith.addf %mul3A_262, %mul3A_263 : vector<16xf32>
        %add3A_276 = arith.addf %mul3A_264, %mul3A_265 : vector<16xf32>
        %add3A_277 = arith.addf %mul3A_266, %mul3A_267 : vector<16xf32>
        %add3A_278 = arith.addf %mul3A_268, %mul3A_269 : vector<16xf32>
        %add3A_279 = arith.addf %mul3A_270, %mul3A_271 : vector<16xf32>
        %add3A_280 = arith.addf %add3A_272, %add3A_273 : vector<16xf32>
        %add3A_281 = arith.addf %add3A_274, %add3A_275 : vector<16xf32>
        %add3A_282 = arith.addf %add3A_276, %add3A_277 : vector<16xf32>
        %add3A_283 = arith.addf %add3A_278, %add3A_279 : vector<16xf32>
        %add3A_284 = arith.addf %add3A_280, %add3A_281 : vector<16xf32>
        %add3A_285 = arith.addf %add3A_282, %add3A_283 : vector<16xf32>
        %add3A_286 = arith.addf %add3A_284, %add3A_285 : vector<16xf32>
        %add3A_287 = arith.constant 0 : i32
        %add3A_288 = arith.addi %mul3A_103, %add3A_287 : i32
        %add3A_289 = vector.broadcast %add3A_288 : i32 to vector<16xi32>
        %add3A_290 = arith.addi %iota3A, %add3A_289 : vector<16xi32>
        %mul3A_291 = arith.constant 32 : i32
        %mul3A_292 = arith.muli %scan3A_124, %mul3A_291 : i32
        %add3A_293 = vector.broadcast %mul3A_292 : i32 to vector<16xi32>
        %add3A_294 = arith.addi %add3A_290, %add3A_293 : vector<16xi32>
        %gt3A = arith.cmpf ogt, %add3A_286, %scan3A_125 : vector<16xf32>
        %select_n3A_295 = arith.select %gt3A, %add3A_286, %scan3A_125 : vector<16xi1>, vector<16xf32>
        %select_n3A_296 = arith.select %gt3A, %add3A_294, %scan3A_127 : vector<16xi1>, vector<16xi32>
        %mul3A_297 = arith.constant 32 : i32
        %mul3A_298 = arith.muli %scan3A_124, %mul3A_297 : i32
        %add3A_299 = arith.constant 16 : i32
        %add3A_300 = arith.addi %mul3A_298, %add3A_299 : i32
        %get3A_301 = arith.constant 0 : i32
        %get3A_302 = arith.index_cast %get3A_301 : i32 to index
        %get3A_303 = arith.index_cast %add3A_300 : i32 to index
        %get3A_304 = tpu.vector_load %arg5[%get3A_302, %get3A_303] {strides = array<i32>} : memref<16x2048xf32, #tpu.memory_space<vmem>>, vector<16xf32>,
        %mul3A_305 = arith.constant 32 : i32
        %mul3A_306 = arith.muli %scan3A_124, %mul3A_305 : i32
        %add3A_307 = arith.constant 16 : i32
        %add3A_308 = arith.addi %mul3A_306, %add3A_307 : i32
        %get3A_309 = arith.constant 1 : i32
        %get3A_310 = arith.index_cast %get3A_309 : i32 to index
        %get3A_311 = arith.index_cast %add3A_308 : i32 to index
        %get3A_312 = tpu.vector_load %arg5[%get3A_310, %get3A_311] {strides = array<i32>} : memref<16x2048xf32, #tpu.memory_space<vmem>>, vector<16xf32>,
        %mul3A_313 = arith.constant 32 : i32
        %mul3A_314 = arith.muli %scan3A_124, %mul3A_313 : i32
        %add3A_315 = arith.constant 16 : i32
        %add3A_316 = arith.addi %mul3A_314, %add3A_315 : i32
        %get3A_317 = arith.constant 2 : i32
        %get3A_318 = arith.index_cast %get3A_317 : i32 to index
        %get3A_319 = arith.index_cast %add3A_316 : i32 to index
        %get3A_320 = tpu.vector_load %arg5[%get3A_318, %get3A_319] {strides = array<i32>} : memref<16x2048xf32, #tpu.memory_space<vmem>>, vector<16xf32>,
        %mul3A_321 = arith.constant 32 : i32
        %mul3A_322 = arith.muli %scan3A_124, %mul3A_321 : i32
        %add3A_323 = arith.constant 16 : i32
        %add3A_324 = arith.addi %mul3A_322, %add3A_323 : i32
        %get3A_325 = arith.constant 3 : i32
        %get3A_326 = arith.index_cast %get3A_325 : i32 to index
        %get3A_327 = arith.index_cast %add3A_324 : i32 to index
        %get3A_328 = tpu.vector_load %arg5[%get3A_326, %get3A_327] {strides = array<i32>} : memref<16x2048xf32, #tpu.memory_space<vmem>>, vector<16xf32>,
        %mul3A_329 = arith.constant 32 : i32
        %mul3A_330 = arith.muli %scan3A_124, %mul3A_329 : i32
        %add3A_331 = arith.constant 16 : i32
        %add3A_332 = arith.addi %mul3A_330, %add3A_331 : i32
        %get3A_333 = arith.constant 4 : i32
        %get3A_334 = arith.index_cast %get3A_333 : i32 to index
        %get3A_335 = arith.index_cast %add3A_332 : i32 to index
        %get3A_336 = tpu.vector_load %arg5[%get3A_334, %get3A_335] {strides = array<i32>} : memref<16x2048xf32, #tpu.memory_space<vmem>>, vector<16xf32>,
        %mul3A_337 = arith.constant 32 : i32
        %mul3A_338 = arith.muli %scan3A_124, %mul3A_337 : i32
        %add3A_339 = arith.constant 16 : i32
        %add3A_340 = arith.addi %mul3A_338, %add3A_339 : i32
        %get3A_341 = arith.constant 5 : i32
        %get3A_342 = arith.index_cast %get3A_341 : i32 to index
        %get3A_343 = arith.index_cast %add3A_340 : i32 to index
        %get3A_344 = tpu.vector_load %arg5[%get3A_342, %get3A_343] {strides = array<i32>} : memref<16x2048xf32, #tpu.memory_space<vmem>>, vector<16xf32>,
        %mul3A_345 = arith.constant 32 : i32
        %mul3A_346 = arith.muli %scan3A_124, %mul3A_345 : i32
        %add3A_347 = arith.constant 16 : i32
        %add3A_348 = arith.addi %mul3A_346, %add3A_347 : i32
        %get3A_349 = arith.constant 6 : i32
        %get3A_350 = arith.index_cast %get3A_349 : i32 to index
        %get3A_351 = arith.index_cast %add3A_348 : i32 to index
        %get3A_352 = tpu.vector_load %arg5[%get3A_350, %get3A_351] {strides = array<i32>} : memref<16x2048xf32, #tpu.memory_space<vmem>>, vector<16xf32>,
        %mul3A_353 = arith.constant 32 : i32
        %mul3A_354 = arith.muli %scan3A_124, %mul3A_353 : i32
        %add3A_355 = arith.constant 16 : i32
        %add3A_356 = arith.addi %mul3A_354, %add3A_355 : i32
        %get3A_357 = arith.constant 7 : i32
        %get3A_358 = arith.index_cast %get3A_357 : i32 to index
        %get3A_359 = arith.index_cast %add3A_356 : i32 to index
        %get3A_360 = tpu.vector_load %arg5[%get3A_358, %get3A_359] {strides = array<i32>} : memref<16x2048xf32, #tpu.memory_space<vmem>>, vector<16xf32>,
        %mul3A_361 = arith.constant 32 : i32
        %mul3A_362 = arith.muli %scan3A_124, %mul3A_361 : i32
        %add3A_363 = arith.constant 16 : i32
        %add3A_364 = arith.addi %mul3A_362, %add3A_363 : i32
        %get3A_365 = arith.constant 8 : i32
        %get3A_366 = arith.index_cast %get3A_365 : i32 to index
        %get3A_367 = arith.index_cast %add3A_364 : i32 to index
        %get3A_368 = tpu.vector_load %arg5[%get3A_366, %get3A_367] {strides = array<i32>} : memref<16x2048xf32, #tpu.memory_space<vmem>>, vector<16xf32>,
        %mul3A_369 = arith.constant 32 : i32
        %mul3A_370 = arith.muli %scan3A_124, %mul3A_369 : i32
        %add3A_371 = arith.constant 16 : i32
        %add3A_372 = arith.addi %mul3A_370, %add3A_371 : i32
        %get3A_373 = arith.constant 9 : i32
        %get3A_374 = arith.index_cast %get3A_373 : i32 to index
        %get3A_375 = arith.index_cast %add3A_372 : i32 to index
        %get3A_376 = tpu.vector_load %arg5[%get3A_374, %get3A_375] {strides = array<i32>} : memref<16x2048xf32, #tpu.memory_space<vmem>>, vector<16xf32>,
        %mul3A_377 = arith.constant 32 : i32
        %mul3A_378 = arith.muli %scan3A_124, %mul3A_377 : i32
        %add3A_379 = arith.constant 16 : i32
        %add3A_380 = arith.addi %mul3A_378, %add3A_379 : i32
        %get3A_381 = arith.constant 10 : i32
        %get3A_382 = arith.index_cast %get3A_381 : i32 to index
        %get3A_383 = arith.index_cast %add3A_380 : i32 to index
        %get3A_384 = tpu.vector_load %arg5[%get3A_382, %get3A_383] {strides = array<i32>} : memref<16x2048xf32, #tpu.memory_space<vmem>>, vector<16xf32>,
        %mul3A_385 = arith.constant 32 : i32
        %mul3A_386 = arith.muli %scan3A_124, %mul3A_385 : i32
        %add3A_387 = arith.constant 16 : i32
        %add3A_388 = arith.addi %mul3A_386, %add3A_387 : i32
        %get3A_389 = arith.constant 11 : i32
        %get3A_390 = arith.index_cast %get3A_389 : i32 to index
        %get3A_391 = arith.index_cast %add3A_388 : i32 to index
        %get3A_392 = tpu.vector_load %arg5[%get3A_390, %get3A_391] {strides = array<i32>} : memref<16x2048xf32, #tpu.memory_space<vmem>>, vector<16xf32>,
        %mul3A_393 = arith.constant 32 : i32
        %mul3A_394 = arith.muli %scan3A_124, %mul3A_393 : i32
        %add3A_395 = arith.constant 16 : i32
        %add3A_396 = arith.addi %mul3A_394, %add3A_395 : i32
        %get3A_397 = arith.constant 12 : i32
        %get3A_398 = arith.index_cast %get3A_397 : i32 to index
        %get3A_399 = arith.index_cast %add3A_396 : i32 to index
        %get3A_400 = tpu.vector_load %arg5[%get3A_398, %get3A_399] {strides = array<i32>} : memref<16x2048xf32, #tpu.memory_space<vmem>>, vector<16xf32>,
        %mul3A_401 = arith.constant 32 : i32
        %mul3A_402 = arith.muli %scan3A_124, %mul3A_401 : i32
        %add3A_403 = arith.constant 16 : i32
        %add3A_404 = arith.addi %mul3A_402, %add3A_403 : i32
        %get3A_405 = arith.constant 13 : i32
        %get3A_406 = arith.index_cast %get3A_405 : i32 to index
        %get3A_407 = arith.index_cast %add3A_404 : i32 to index
        %get3A_408 = tpu.vector_load %arg5[%get3A_406, %get3A_407] {strides = array<i32>} : memref<16x2048xf32, #tpu.memory_space<vmem>>, vector<16xf32>,
        %mul3A_409 = arith.constant 32 : i32
        %mul3A_410 = arith.muli %scan3A_124, %mul3A_409 : i32
        %add3A_411 = arith.constant 16 : i32
        %add3A_412 = arith.addi %mul3A_410, %add3A_411 : i32
        %get3A_413 = arith.constant 14 : i32
        %get3A_414 = arith.index_cast %get3A_413 : i32 to index
        %get3A_415 = arith.index_cast %add3A_412 : i32 to index
        %get3A_416 = tpu.vector_load %arg5[%get3A_414, %get3A_415] {strides = array<i32>} : memref<16x2048xf32, #tpu.memory_space<vmem>>, vector<16xf32>,
        %mul3A_417 = arith.constant 32 : i32
        %mul3A_418 = arith.muli %scan3A_124, %mul3A_417 : i32
        %add3A_419 = arith.constant 16 : i32
        %add3A_420 = arith.addi %mul3A_418, %add3A_419 : i32
        %get3A_421 = arith.constant 15 : i32
        %get3A_422 = arith.index_cast %get3A_421 : i32 to index
        %get3A_423 = arith.index_cast %add3A_420 : i32 to index
        %get3A_424 = tpu.vector_load %arg5[%get3A_422, %get3A_423] {strides = array<i32>} : memref<16x2048xf32, #tpu.memory_space<vmem>>, vector<16xf32>,
        %mul3A_425 = arith.mulf %get3A_304, %get3A_304 : vector<16xf32>
        %mul3A_426 = arith.mulf %get3A_312, %get3A_312 : vector<16xf32>
        %mul3A_427 = arith.mulf %get3A_320, %get3A_320 : vector<16xf32>
        %mul3A_428 = arith.mulf %get3A_328, %get3A_328 : vector<16xf32>
        %mul3A_429 = arith.mulf %get3A_336, %get3A_336 : vector<16xf32>
        %mul3A_430 = arith.mulf %get3A_344, %get3A_344 : vector<16xf32>
        %mul3A_431 = arith.mulf %get3A_352, %get3A_352 : vector<16xf32>
        %mul3A_432 = arith.mulf %get3A_360, %get3A_360 : vector<16xf32>
        %mul3A_433 = arith.mulf %get3A_368, %get3A_368 : vector<16xf32>
        %mul3A_434 = arith.mulf %get3A_376, %get3A_376 : vector<16xf32>
        %mul3A_435 = arith.mulf %get3A_384, %get3A_384 : vector<16xf32>
        %mul3A_436 = arith.mulf %get3A_392, %get3A_392 : vector<16xf32>
        %mul3A_437 = arith.mulf %get3A_400, %get3A_400 : vector<16xf32>
        %mul3A_438 = arith.mulf %get3A_408, %get3A_408 : vector<16xf32>
        %mul3A_439 = arith.mulf %get3A_416, %get3A_416 : vector<16xf32>
        %mul3A_440 = arith.mulf %get3A_424, %get3A_424 : vector<16xf32>
        %add3A_441 = arith.addf %mul3A_425, %mul3A_426 : vector<16xf32>
        %add3A_442 = arith.addf %mul3A_427, %mul3A_428 : vector<16xf32>
        %add3A_443 = arith.addf %mul3A_429, %mul3A_430 : vector<16xf32>
        %add3A_444 = arith.addf %mul3A_431, %mul3A_432 : vector<16xf32>
        %add3A_445 = arith.addf %mul3A_433, %mul3A_434 : vector<16xf32>
        %add3A_446 = arith.addf %mul3A_435, %mul3A_436 : vector<16xf32>
        %add3A_447 = arith.addf %mul3A_437, %mul3A_438 : vector<16xf32>
        %add3A_448 = arith.addf %mul3A_439, %mul3A_440 : vector<16xf32>
        %add3A_449 = arith.addf %add3A_441, %add3A_442 : vector<16xf32>
        %add3A_450 = arith.addf %add3A_443, %add3A_444 : vector<16xf32>
        %add3A_451 = arith.addf %add3A_445, %add3A_446 : vector<16xf32>
        %add3A_452 = arith.addf %add3A_447, %add3A_448 : vector<16xf32>
        %add3A_453 = arith.addf %add3A_449, %add3A_450 : vector<16xf32>
        %add3A_454 = arith.addf %add3A_451, %add3A_452 : vector<16xf32>
        %add3A_455 = arith.addf %add3A_453, %add3A_454 : vector<16xf32>
        %add3A_456 = arith.constant 16 : i32
        %add3A_457 = arith.addi %mul3A_103, %add3A_456 : i32
        %add3A_458 = vector.broadcast %add3A_457 : i32 to vector<16xi32>
        %add3A_459 = arith.addi %iota3A, %add3A_458 : vector<16xi32>
        %mul3A_460 = arith.constant 32 : i32
        %mul3A_461 = arith.muli %scan3A_124, %mul3A_460 : i32
        %add3A_462 = vector.broadcast %mul3A_461 : i32 to vector<16xi32>
        %add3A_463 = arith.addi %add3A_459, %add3A_462 : vector<16xi32>
        %gt3A_464 = arith.cmpf ogt, %add3A_455, %scan3A_126 : vector<16xf32>
        %select_n3A_465 = arith.select %gt3A_464, %add3A_455, %scan3A_126 : vector<16xi1>, vector<16xf32>
        %select_n3A_466 = arith.select %gt3A_464, %add3A_463, %scan3A_128 : vector<16xi1>, vector<16xi32>
        scf.yield %select_n3A_295, %select_n3A_465, %select_n3A_296, %select_n3A_466 : vector<16xf32>, vector<16xf32>, vector<16xi32>, vector<16xi32>
      }
      %scan3A_109 = arith.constant 64 : i32
      %add3A_110 = arith.constant 2 : i32
      %add3A_111 = arith.addi %add3A_44, %add3A_110 : i32
      %lt3A_112 = arith.constant 8 : i32
      %lt3A_113 = arith.cmpi slt, %add3A_111, %lt3A_112 : i32
      %convert_element_type3A_114 = arith.extui %lt3A_113 : i1 to i32
      %cond3A_115 = arith.constant 0 : i32
      %cond3A_116 = arith.cmpi ne, %convert_element_type3A_114, %cond3A_115 : i32
      scf.if %cond3A_116 {
        %add3A_124 = arith.constant 2 : i32
        %add3A_125 = arith.addi %add3A_44, %add3A_124 : i32
        %mul3A_126 = arith.constant 2 : i32
        %mul3A_127 = arith.muli %add3A, %mul3A_126 : i32
        %div3A_128 = arith.constant 4 : i32
        %div3A_129 = arith.divsi %add3A_125, %div3A_128 : i32
        %add3A_130 = arith.addi %mul3A_127, %div3A_129 : i32
        %rem3A_131 = arith.constant 4 : i32
        %rem3A_132 = arith.remsi %add3A_125, %rem3A_131 : i32
        %mul3A_133 = arith.constant 2048 : i32
        %mul3A_134 = arith.muli %rem3A_132, %mul3A_133 : i32
        %dma_start3A_135 = arith.constant 0 : i32
        %dma_start3A_136 = tpu.memref_slice %arg2[%add3A_130, %dma_start3A_135, %mul3A_134] : memref<128x16x8192xf32, #tpu.memory_space<hbm>> -> memref<1x16x2048xf32, #tpu.memory_space<hbm>>
        %dma_start3A_137 = tpu.memref_squeeze %dma_start3A_136 : memref<1x16x2048xf32, #tpu.memory_space<hbm>> -> memref<16x2048xf32, #tpu.memory_space<hbm>>
        %dma_start3A_138 = arith.constant 0 : i32
        %dma_start3A_139 = tpu.memref_slice %arg2[%add3A_130, %dma_start3A_138, %mul3A_134] : memref<128x16x8192xf32, #tpu.memory_space<hbm>> -> memref<1x16x2048xf32, #tpu.memory_space<hbm>>
        %dma_start3A_140 = tpu.memref_squeeze %dma_start3A_139 : memref<1x16x2048xf32, #tpu.memory_space<hbm>> -> memref<16x2048xf32, #tpu.memory_space<hbm>>
        tpu.enqueue_dma source(%dma_start3A_140 : memref<16x2048xf32, #tpu.memory_space<hbm>>) target(%arg5 : memref<16x2048xf32, #tpu.memory_space<vmem>>) target_semaphore(%arg9 : memref<!tpu.dma_semaphore, #tpu.memory_space<semaphore_mem>>)
      } else {
      }
      %rem3A_117 = arith.constant 4 : i32
      %rem3A_118 = arith.remsi %add3A_44, %rem3A_117 : i32
      %eq3A_119 = arith.constant 3 : i32
      %eq3A_120 = arith.cmpi eq, %rem3A_118, %eq3A_119 : i32
      %convert_element_type3A_121 = arith.extui %eq3A_120 : i1 to i32
      %cond3A_122 = arith.constant 0 : i32
      %cond3A_123 = arith.cmpi ne, %convert_element_type3A_121, %cond3A_122 : i32
      scf.if %cond3A_123 {
        %mul3A_124 = arith.constant 2 : i32
        %mul3A_125 = arith.muli %add3A, %mul3A_124 : i32
        %div3A_126 = arith.constant 4 : i32
        %div3A_127 = arith.divsi %add3A_44, %div3A_126 : i32
        %add3A_128 = arith.addi %mul3A_125, %div3A_127 : i32
        %gt3A = arith.cmpf ogt, %scan3A_108#1, %scan3A_108#0 : vector<16xf32>
        %eq3A_129 = arith.cmpf oeq, %scan3A_108#1, %scan3A_108#0 : vector<16xf32>
        %lt3A_130 = arith.cmpi slt, %scan3A_108#3, %scan3A_108#2 : vector<16xi32>
        %and3A = arith.andi %eq3A_129, %lt3A_130 : vector<16xi1>
        %or3A = arith.ori %gt3A, %and3A : vector<16xi1>
        %select_n3A_131 = arith.select %or3A, %scan3A_108#1, %scan3A_108#0 : vector<16xi1>, vector<16xf32>
        %select_n3A_132 = arith.select %or3A, %scan3A_108#3, %scan3A_108#2 : vector<16xi1>, vector<16xi32>
        %reduce_max3A = arith.constant true
        %reduce_max3A_133 = vector.broadcast %reduce_max3A : i1 to vector<16xi1>
        %reduce_max3A_134 = tpu.scan <max>, %select_n3A_131 masked %reduce_max3A_133 : vector<16xf32>, vector<16xi1> -> vector<16xf32>
        %reduce_max3A_135 = vector.extract %reduce_max3A_134[15] : f32 from vector<16xf32>
        %eq3A_136 = vector.broadcast %reduce_max3A_135 : f32 to vector<16xf32>
        %eq3A_137 = arith.cmpf oeq, %select_n3A_131, %eq3A_136 : vector<16xf32>
        %jit3A = arith.constant 8192 : i32
        %broadcast_in_dim3A_138 = vector.broadcast %jit3A : i32 to vector<16xi32>
        %select_n3A_139 = arith.select %eq3A_137, %select_n3A_132, %broadcast_in_dim3A_138 : vector<16xi1>, vector<16xi32>
        %reduce_min3A = arith.constant true
        %reduce_min3A_140 = vector.broadcast %reduce_min3A : i1 to vector<16xi1>
        %reduce_min3A_141 = arith.constant -2147483648 : i32
        %reduce_min3A_142 = vector.broadcast %reduce_min3A_141 : i32 to vector<16xi32>
        %reduce_min3A_143 = arith.xori %select_n3A_139, %reduce_min3A_142 : vector<16xi32>
        %reduce_min3A_144 = tpu.scan <min>, %reduce_min3A_143 masked %reduce_min3A_140 : vector<16xi32>, vector<16xi1> -> vector<16xi32>
        %reduce_min3A_145 = arith.xori %reduce_min3A_144, %reduce_min3A_142 : vector<16xi32>
        %reduce_min3A_146 = vector.extract %reduce_min3A_145[15] : i32 from vector<16xi32>
        %shift_right_arithmetic3A = arith.constant 7 : i32
        %shift_right_arithmetic3A_147 = arith.shrsi %reduce_min3A_146, %shift_right_arithmetic3A : i32
        %shift_left3A = arith.constant 7 : i32
        %shift_left3A_148 = arith.shli %shift_right_arithmetic3A_147, %shift_left3A : i32
        %multiple_of3A = tpu.assume_multiple %shift_left3A_148, 128 : i32
        "tpu.region"() ({
          %run_scoped3A = tpu.sem_alloc : memref<!tpu.dma_semaphore, #tpu.memory_space<semaphore_mem>>
          %dma_start3A_156 = arith.constant 0 : i32
          %dma_start3A_157 = tpu.memref_slice %arg2[%add3A_128, %dma_start3A_156, %multiple_of3A] : memref<128x16x8192xf32, #tpu.memory_space<hbm>> -> memref<1x16x128xf32, #tpu.memory_space<hbm>>
          %dma_start3A_158 = tpu.memref_squeeze %dma_start3A_157 : memref<1x16x128xf32, #tpu.memory_space<hbm>> -> memref<16x128xf32, #tpu.memory_space<hbm>>
          %dma_start3A_159 = arith.constant 0 : i32
          %dma_start3A_160 = tpu.memref_slice %arg2[%add3A_128, %dma_start3A_159, %multiple_of3A] : memref<128x16x8192xf32, #tpu.memory_space<hbm>> -> memref<1x16x128xf32, #tpu.memory_space<hbm>>
          %dma_start3A_161 = tpu.memref_squeeze %dma_start3A_160 : memref<1x16x128xf32, #tpu.memory_space<hbm>> -> memref<16x128xf32, #tpu.memory_space<hbm>>
          tpu.enqueue_dma source(%dma_start3A_161 : memref<16x128xf32, #tpu.memory_space<hbm>>) target(%arg6 : memref<16x128xf32, #tpu.memory_space<vmem>>) target_semaphore(%run_scoped3A : memref<!tpu.dma_semaphore, #tpu.memory_space<semaphore_mem>>)
          %dma_wait3A_162 = arith.constant 0 : i32
          %dma_wait3A_163 = tpu.memref_slice %arg2[%add3A_128, %dma_wait3A_162, %multiple_of3A] : memref<128x16x8192xf32, #tpu.memory_space<hbm>> -> memref<1x16x128xf32, #tpu.memory_space<hbm>>
          %dma_wait3A_164 = tpu.memref_squeeze %dma_wait3A_163 : memref<1x16x128xf32, #tpu.memory_space<hbm>> -> memref<16x128xf32, #tpu.memory_space<hbm>>
          %dma_wait3A_165 = arith.constant 0 : i32
          %dma_wait3A_166 = tpu.memref_slice %arg2[%add3A_128, %dma_wait3A_165, %multiple_of3A] : memref<128x16x8192xf32, #tpu.memory_space<hbm>> -> memref<1x16x128xf32, #tpu.memory_space<hbm>>
          %dma_wait3A_167 = tpu.memref_squeeze %dma_wait3A_166 : memref<1x16x128xf32, #tpu.memory_space<hbm>> -> memref<16x128xf32, #tpu.memory_space<hbm>>
          tpu.wait_dma2 semaphore(%run_scoped3A : memref<!tpu.dma_semaphore, #tpu.memory_space<semaphore_mem>>) src(%dma_wait3A_167 : memref<16x128xf32, #tpu.memory_space<hbm>>) dst(%arg6 : memref<16x128xf32, #tpu.memory_space<vmem>>)
          tpu.yield
        }) : () -> ()
        %broadcast_in_dim3A_149 = arith.constant 0 : i32
        %broadcast_in_dim3A_150 = vector.broadcast %broadcast_in_dim3A_149 : i32 to vector<16xi32>
        %sub3A = arith.subi %reduce_min3A_146, %multiple_of3A : i32
        %add3A_151 = vector.broadcast %sub3A : i32 to vector<16xi32>
        %add3A_152 = arith.addi %broadcast_in_dim3A_150, %add3A_151 : vector<16xi32>
        %gather3A = tpu.vector_load_idx %arg6[%iota3A, %add3A_152] : memref<16x128xf32, #tpu.memory_space<vmem>>[vector<16xi32>, vector<16xi32>], vector<16xf32>,
        %swap3A = arith.constant 0 : i32
        %swap3A_153 = arith.index_cast %swap3A : i32 to index
        %swap3A_154 = arith.constant 0 : index
        %swap3A_155 = tpu.vector_load %arg7[%swap3A_153, %swap3A_154] {strides = array<i32>} : memref<1x16xf32, #tpu.memory_space<vmem>>, vector<16xf32>,
        tpu.vector_store %arg7[%swap3A_153, %swap3A_154], %gather3A {strides = array<i32>} : memref<1x16xf32, #tpu.memory_space<vmem>>, vector<16xf32>,
        "tpu.region"() ({
          %run_scoped3A = tpu.sem_alloc : memref<!tpu.dma_semaphore, #tpu.memory_space<semaphore_mem>>
          %dma_start3A_156 = arith.constant 0 : i32
          %dma_start3A_157 = tpu.memref_slice %arg3[%add3A_128, %dma_start3A_156] : memref<64x16xf32, #tpu.memory_space<hbm>> -> memref<1x16xf32, #tpu.memory_space<hbm>>
          %dma_start3A_158 = arith.constant 0 : i32
          %dma_start3A_159 = tpu.memref_slice %arg3[%add3A_128, %dma_start3A_158] : memref<64x16xf32, #tpu.memory_space<hbm>> -> memref<1x16xf32, #tpu.memory_space<hbm>>
          tpu.enqueue_dma source(%arg7 : memref<1x16xf32, #tpu.memory_space<vmem>>) target(%dma_start3A_159 : memref<1x16xf32, #tpu.memory_space<hbm>>) target_semaphore(%run_scoped3A : memref<!tpu.dma_semaphore, #tpu.memory_space<semaphore_mem>>)
          %dma_wait3A_160 = arith.constant 0 : i32
          %dma_wait3A_161 = tpu.memref_slice %arg3[%add3A_128, %dma_wait3A_160] : memref<64x16xf32, #tpu.memory_space<hbm>> -> memref<1x16xf32, #tpu.memory_space<hbm>>
          %dma_wait3A_162 = arith.constant 0 : i32
          %dma_wait3A_163 = tpu.memref_slice %arg3[%add3A_128, %dma_wait3A_162] : memref<64x16xf32, #tpu.memory_space<hbm>> -> memref<1x16xf32, #tpu.memory_space<hbm>>
          tpu.wait_dma2 semaphore(%run_scoped3A : memref<!tpu.dma_semaphore, #tpu.memory_space<semaphore_mem>>) src(%arg7 : memref<1x16xf32, #tpu.memory_space<vmem>>) dst(%dma_wait3A_163 : memref<1x16xf32, #tpu.memory_space<hbm>>)
          tpu.yield
        }) : () -> ()
      } else {
      }
      scf.yield %scan3A_108#0, %scan3A_108#1, %scan3A_108#2, %scan3A_108#3 : vector<16xf32>, vector<16xf32>, vector<16xi32>, vector<16xi32>
    }
    %scan3A_35 = arith.constant 4 : i32
    return
  }
}

module attributes {stable_mosaic.version = 14 : i64} {
  func.func @_tc_body(%arg0: i32, %arg1: memref<16x16x8192xf32, #tpu.memory_space<vmem>>, %arg2: memref<16x16xf32, #tpu.memory_space<vmem>>) attributes {dimension_semantics = [#tpu.dimension_semantics<arbitrary>], iteration_bounds = array<i64: 4>, scalar_prefetch = 0 : i64, scratch_operands = 0 : i64, tpu.core_type = #tpu.core_type<tc>, window_params = [{transform_indices = @transform_0, window_bounds = array<i64: 16, 16, 8192>}, {transform_indices = @transform_1, window_bounds = array<i64: 16, 16>}]} {
    %get3A = arith.constant 0 : index
    %get3A_0 = arith.constant 0 : index
    %get3A_1 = arith.constant 0 : index
    %get3A_2 = vector.load %arg1[%get3A, %get3A_0, %get3A_1] : memref<16x16x8192xf32, #tpu.memory_space<vmem>>, vector<16x16x8192xf32>
    %mul3A = arith.mulf %get3A_2, %get3A_2 : vector<16x16x8192xf32>
    %reduce_sum3A = arith.constant dense<0.000000e+00> : vector<16x8192xf32>
    %reduce_sum3A_3 = vector.multi_reduction <add>, %mul3A, %reduce_sum3A [1] : vector<16x16x8192xf32> to vector<16x8192xf32>
    %reduce_max3A = arith.constant dense<0xFF800000> : vector<16xf32>
    %reduce_max3A_4 = vector.multi_reduction <maximumf>, %reduce_sum3A_3, %reduce_max3A [1] : vector<16x8192xf32> to vector<16xf32>
    %broadcast_in_dim3A = vector.shape_cast %reduce_max3A_4 : vector<16xf32> to vector<16x1xf32>
    %iota3A = tpu.iota {dimensions = array<i32: 1>} : vector<16x8192xi32>
    %eq3A = vector.broadcast %broadcast_in_dim3A : vector<16x1xf32> to vector<16x8192xf32>
    %eq3A_5 = arith.cmpf oeq, %reduce_sum3A_3, %eq3A : vector<16x8192xf32>
    %jit3A = arith.constant 8192 : i32
    %broadcast_in_dim3A_6 = vector.broadcast %jit3A : i32 to vector<16x8192xi32>
    %select_n3A = arith.select %eq3A_5, %iota3A, %broadcast_in_dim3A_6 : vector<16x8192xi1>, vector<16x8192xi32>
    %reduce_min3A = arith.constant dense<2147483647> : vector<16xi32>
    %reduce_min3A_7 = vector.multi_reduction <minsi>, %select_n3A, %reduce_min3A [1] : vector<16x8192xi32> to vector<16xi32>
    %broadcast_in_dim3A_8 = vector.shape_cast %reduce_min3A_7 : vector<16xi32> to vector<16x1xi32>
    %eq3A_9 = vector.broadcast %broadcast_in_dim3A_8 : vector<16x1xi32> to vector<16x8192xi32>
    %eq3A_10 = arith.cmpi eq, %iota3A, %eq3A_9 : vector<16x8192xi32>
    %convert_element_type3A = arith.extui %eq3A_10 : vector<16x8192xi1> to vector<16x8192xi32>
    %convert_element_type3A_11 = arith.sitofp %convert_element_type3A : vector<16x8192xi32> to vector<16x8192xf32>
    "tpu.trace_start"() <{level = 10 : i32, message = "bkn,bn->bk"}> : () -> ()
    %dot_general3A = arith.constant dense<0.000000e+00> : vector<16x16xf32>
    %dot_general3A_12 = tpu.matmul %get3A_2, %convert_element_type3A_11, %dot_general3A {dimension_numbers = #tpu.dot_dimension_numbers<[2], [1], [1], [], [0, 0, 0, 1], [0], [0]>, transpose_lhs_hint = false} : vector<16x16x8192xf32>, vector<16x8192xf32>, vector<16x16xf32> -> vector<16x16xf32>
    "tpu.trace_stop"() : () -> ()
    %swap3A = arith.constant 0 : index
    %swap3A_13 = arith.constant 0 : index
    %swap3A_14 = vector.load %arg2[%swap3A, %swap3A_13] : memref<16x16xf32, #tpu.memory_space<vmem>>, vector<16x16xf32>
    tpu.vector_store %arg2[%swap3A, %swap3A_13], %dot_general3A_12 {strides = array<i32>} : memref<16x16xf32, #tpu.memory_space<vmem>>, vector<16x16xf32>,
    return
  }
  func.func @transform_0(%arg0: i32) -> (i32, i32, i32) {
    %add3A = arith.constant 4 : i32
    %add3A_0 = arith.addi %add3A, %arg0 : i32
    %c0_i32 = arith.constant 0 : i32
    %c0_i32_1 = arith.constant 0 : i32
    %c0_i32_2 = arith.constant 0 : i32
    return %add3A_0, %c0_i32, %c0_i32_1 : i32, i32, i32
  }
  func.func @transform_1(%arg0: i32) -> (i32, i32) {
    %c0_i32 = arith.constant 0 : i32
    %c0_i32_0 = arith.constant 0 : i32
    return %arg0, %c0_i32 : i32, i32
  }
}

</mosaic_0001>

<sc_bundles>
// kernel: kernel.4.cloned.1.call-start
scs
__scs_entry_jumppad:
0x0: {  	(pc) =	sbr.rel $0x88, $3  }
0x1: {  	(tag) =	ssettag $0x0;
	lr =	simm.s32 $0x1  }
0x2: {  	[smem:$0x3FA0] =	sst lr;
	_ =	strace $0xD0000000  }
0x3: {  	_ = 	snop  }
0x4: {  	_ = 	snop  }
0x5: {  	_ = 	snop  }
0x6: {  	_ = 	snop  }
0x7: {  	_ = 	snop  }
__scs_overlays_trampoline_lowered:
0x8: {  	[smem:$0x3FAF] =	sst s0  }
0x9: {  	[smem:$0x3FB0] =	sst s1  }
0xa: {  	[smem:$0x3FB1] =	sst s2  }
0xb: {  	[smem:$0x3FB2] =	sst s3  }
0xc: {  	[smem:$0x3FB3] =	sst s4  }
0xd: {  	[smem:$0x3FB4] =	sst s5  }
0xe: {  	[smem:$0x3FB5] =	sst s6  }
0xf: {  	[smem:$0x3FB6] =	sst s7  }
0x10: {  	[smem:$0x3FB7] =	sst s8  }
0x11: {  	[smem:$0x3FB8] =	sst s9;
	s0 =	simm.s32 @!p0 $0x0  }
0x12: {  	s1 =	sld [smem:$0x3F9E];
	s0 =	simm.s32 @p0 $0x1  }
0x13: {  	[smem:$0x3FB9] =	sst s0;
	s0 =	simm.s32 @!p1 $0x0  }
0x14: {  	s2 =	sld [smem:$0x3F9D];
	s0 =	simm.s32 @p1 $0x1  }
0x15: {  	[smem:$0x3FBA] =	sst s0;
	s0 =	simm.s32 @!p2 $0x0  }
0x16: {  	s3 =	sld [smem:$0x3FDB];
	s0 =	simm.s32 @p2 $0x1  }
0x17: {  	s4 =	simm.s32 $0x1BF5;
	[smem:$0x3FBC] =	sst s0  }
0x18: {  	s0 =	sld [smem:$0x3F9F];
	_ =	swait.ge [sflag:s4], $0x0  }
0x19: {  	s7 =	sld [smem:$0x3FA0]  }
0x1a: {  	s8 =	sadd.s32 $0xFFFFE003, lr  }
0x1b: {  	s9 =	sadd.s32 $0xFFFFFEF7, lr;
	s5 =	simm.s32 $0xFFFFFFFF;
	p2 =	slt.u32 s8, $0xFFFFF086  }
0x1c: {  	p1 =	slt.u32 s9, $0xF7A;
	s5 =	simm.s32 @!p2 $0x0  }
0x1d: {  	s5 =	simm.s32 @p1 $0x1;
	p0 =	seq.s32 s7, s2  }
0x1e: {  	s7 =	smul.u32 @!p0 $0xF7A, s2;
	p2 =	seq.s32 @!p0 s5, $0x0  }
0x1f: {  	s9 =	smul.u32 $0xF7A, s1;
	s8 =	simm.s32 @!p0 $0x1BF5;
	p2 =	por !p2, p0  }
0x20: {  	[sflag:s8] =	ssyncset.s32 @!p0 $0xFFFFF086;
	s6 =	sadd.s32 @!p0 s3, s7;
	s7 =	simm.s32 @!p0 $0x108  }
0x21: {  	s3 =	sadd.s32 s3, s9;
	s6 =	sadd.s32 @!p0 $0x88, s6;
	s7 =	simm.s32 @p2 $0x1082  }
0x22: {  	[simem:s7], [sflag:s8] =	dma.local @!p0 [hbm:s6], $0xF7A  }
0x23: {  	s9 =	sor.u32 $0xD0000000, s2;
	s6 =	simm.s32 $0x108;
	_ =	swait.ge @!p0 [sflag:s8], $0x0  }
0x24: {  	s3 =	sadd.s32 $0x88, s3;
	s6 =	simm.s32 @!p1 $0x1082;
	[sflag:s4] =	ssyncset.s32 $0xFFFFF086  }
0x25: {  	[simem:s6], [sflag:s4] =	dma.local [hbm:s3], $0xF7A  }
0x26: {  	[smem:$0x3FA0] =	sst s1;
	(tag) =	ssettag s2;
	_ =	strace s9  }
0x27: {  	s1 =	sld [smem:$0x3FB0]  }
0x28: {  	s2 =	sld [smem:$0x3FB1]  }
0x29: {  	s4 =	sld [smem:$0x3FB3]  }
0x2a: {  	p0 =	seq.s32 s5, $0x0;
	s5 =	sld [smem:$0x3FB4]  }
0x2b: {  	s6 =	sld [smem:$0x3FB5]  }
0x2c: {  	s7 =	sld [smem:$0x3FB6]  }
0x2d: {  	s3 =	simm.s32 $0x108;
	s8 =	sld [smem:$0x3FB7]  }
0x2e: {  	s3 =	simm.s32 @!p0 $0x1082;
	s9 =	sld [smem:$0x3FB8]  }
0x2f: {  	lr =	sadd.s32 s0, s3;
	s0 =	sld [smem:$0x3FAF]  }
0x30: {  	s3 =	sld [smem:$0x3FB2]  }
0x31: {  	[smem:$0x3FBB] =	sst s10  }
0x32: {  	s10 =	sld [smem:$0x3FB9];
	_ =	sdelay $0x3  }
0x33: {  	p0 =	seq.s32 s10, $0x1;
	s10 =	sld [smem:$0x3FBB];
	_ =	sdelay $0x3  }
0x34: {  	[smem:$0x3FBB] =	sst s10  }
0x35: {  	s10 =	sld [smem:$0x3FBA];
	_ =	sdelay $0x3  }
0x36: {  	p1 =	seq.s32 s10, $0x1;
	s10 =	sld [smem:$0x3FBB];
	_ =	sdelay $0x3  }
0x37: {  	[smem:$0x3FBB] =	sst s10  }
0x38: {  	s10 =	sld [smem:$0x3FBC]  }
0x39: {  	_ = 	snop;
	(pc) =	sbr.ind lr, $3  }
0x3a: {  	_ = 	snop  }
0x3b: {  	_ = 	snop  }
0x3c: {  	p2 =	seq.s32 s10, $0x1;
	s10 =	sld [smem:$0x3FBB]  }
0x3d: {  	_ =	shalt  }
0x3e: {  	_ =	shalt  }
0x3f: {  	_ =	shalt  }
0x40: {  	_ =	shalt  }
0x41: {  	_ =	shalt  }
0x42: {  	_ =	shalt  }
0x43: {  	_ =	shalt  }
0x44: {  	_ =	shalt  }
0x45: {  	_ =	shalt  }
0x46: {  	_ =	shalt  }
0x47: {  	_ =	shalt  }
0x48: {  	_ =	shalt  }
0x49: {  	_ =	shalt  }
0x4a: {  	_ =	shalt  }
0x4b: {  	_ =	shalt  }
0x4c: {  	_ =	shalt  }
0x4d: {  	_ =	shalt  }
0x4e: {  	_ =	shalt  }
0x4f: {  	_ =	shalt  }
0x50: {  	_ =	shalt  }
0x51: {  	_ =	shalt  }
0x52: {  	_ =	shalt  }
0x53: {  	_ =	shalt  }
0x54: {  	_ =	shalt  }
0x55: {  	_ =	shalt  }
0x56: {  	_ =	shalt  }
0x57: {  	_ =	shalt  }
0x58: {  	_ =	shalt  }
0x59: {  	_ =	shalt  }
0x5a: {  	_ =	shalt  }
0x5b: {  	_ =	shalt  }
0x5c: {  	_ =	shalt  }
0x5d: {  	_ =	shalt  }
0x5e: {  	_ =	shalt  }
0x5f: {  	_ =	shalt  }
0x60: {  	_ =	shalt  }
0x61: {  	_ =	shalt  }
0x62: {  	_ =	shalt  }
0x63: {  	_ =	shalt  }
0x64: {  	_ =	shalt  }
0x65: {  	_ =	shalt  }
0x66: {  	_ =	shalt  }
0x67: {  	_ =	shalt  }
0x68: {  	_ =	shalt  }
0x69: {  	_ =	shalt  }
0x6a: {  	_ =	shalt  }
0x6b: {  	_ =	shalt  }
0x6c: {  	_ =	shalt  }
0x6d: {  	_ =	shalt  }
0x6e: {  	_ =	shalt  }
0x6f: {  	_ =	shalt  }
0x70: {  	_ =	shalt  }
0x71: {  	_ =	shalt  }
0x72: {  	_ =	shalt  }
0x73: {  	_ =	shalt  }
0x74: {  	_ =	shalt  }
0x75: {  	_ =	shalt  }
0x76: {  	_ =	shalt  }
0x77: {  	_ =	shalt  }
0x78: {  	_ =	shalt  }
0x79: {  	_ =	shalt  }
0x7a: {  	_ =	shalt  }
0x7b: {  	_ =	shalt  }
0x7c: {  	_ =	shalt  }
0x7d: {  	_ =	shalt  }
0x7e: {  	_ =	shalt  }
0x7f: {  	_ =	shalt  }
0x80: {  	_ =	shalt  }
0x81: {  	_ =	shalt  }
0x82: {  	_ =	shalt  }
0x83: {  	_ =	shalt  }
0x84: {  	_ =	shalt  }
0x85: {  	_ =	shalt  }
0x86: {  	_ =	shalt  }
0x87: {  	_ =	shalt  }
.Lfunc_end0:
.L_simem_size_0:
called_computation_lowered:
.L_overlay_start_0:
0x88: {  	s2 =	sld [smem:$0x3FD9]  }
0x89: {  	s3 =	sld [smem:$0x3FFE];
	_ =	sdelay $0x1  }
0x8a: {  	s1 =	srdreg.scid  }
0x8b: {  	s0 =	sand.u32 $0x1, s1  }
0x8c: {  	s17 =	sshll.u32 s0, $0xA;
	s2 =	sadd.s32 s3, s2  }
0x8d: {  	s2 =	sadd.s32 s2, s17  }
0x8e: {  	[smem:$0x3FC7] =	sst s2  }
0x8f: {  	_ = 	snop  }
0x90: {  	s2 =	sld [smem:$0x3FC9];
	(tm) =	ssettm $0x1  }
0x91: {  	s18 =	sld [smem:$0x3FFB];
	_ =	sdelay $0x3  }
0x92: {  	_ =	strace s18  }
0x93: {  	s3 =	sld [smem:$0x3FFC];
	_ =	sdelay $0x3  }
0x94: {  	_ =	strace s3  }
0x95: {  	s3 =	sld [smem:$0x3FFD];
	_ =	sdelay $0x3  }
0x96: {  	_ =	strace s3  }
0x97: {  	_ =	strace $0x8FFFFFFF  }
0x98: {  	s19 =	sld [smem:$0x3FDB];
	_ =	sdelay $0x1  }
0x99: {  	s4 =	simm.s32 $_scs_section_size  }
0x9a: {  	s5 =	simm.s32 $_size__tile_overlayer_lowered;
	s6 =	simm.s32 $_tile_overlayer_lowered  }
0x9b: {  	s22 =	simm.s32 $0x1BFF;
	s21 =	sshll.u32 s6, $0x1;
	s3 =	sadd.s32 s4, s19  }
0x9c: {  	s7 =	simm.s32 $0x0;
	s20 =	sshll.u32 s5, $0x1;
	s5 =	sadd.s32 s21, s3  }
0x9d: {  	[timem:s7], [sflag:s22] =	dma.local [hbm:s5], s20  }
0x9e: {  	_ =	swait.ge [sflag:s22], s20  }
0x9f: {  	s4 =	ssub.s32 $0x0, s20;
	[sflag:s22] =	ssyncset.done $0x0  }
0xa0: {  	[sflag:s22] =	ssyncadd.s32 s4;
	_ =	sdelay $0x1  }
0xa1: {  	s23 =	simm.s32 $0x1B8B  }
0xa2: {  	_ =	swait.ge [sflag:s23], $0x1  }
0xa3: {  	[sflag:s23] =	ssyncset.done $0x0  }
0xa4: {  	s25 =	simm.s32 $0x1B8E;
	s24 =	sld [smem:$0x3FFE];
	[sflag:s23] =	ssyncadd.s32 $0xFFFFFFFF  }
0xa5: {  	s26 =	simm.s32 $execute0_lowered;
	[smem:$0x3FD2] =	sst s25  }
0xa6: {  	s5 =	sshll.u32 s26, $0x1;
	_ =	strace $0x80000046;
	[dreg:$0x1] =	wrdreg $0xFFFFFFFF  }
0xa7: {  	s28 =	simm.s32 $_size_execute0_lowered;
	s3 =	sadd.s32 s3, s5;
	[dreg:$0x0] =	wrdreg $0x0  }
0xa8: {  	s5 =	sshll.u32 s28, $0x1;
	[dreg:$0x2] =	wrdreg s3  }
0xa9: {  	[dreg:$0x3] =	wrdreg s5  }
0xaa: {  	[dreg:$0x4] =	wrdreg $0xC0  }
0xab: {  	_ =	task [dreg:s7], $0x5FFFF  }
0xac: {  	[dreg:$0x1] =	wrdreg $0xFFFFFFFF  }
0xad: {  	[dreg:$0x0] =	wrdreg $0x60  }
0xae: {  	[dreg:$0x2] =	wrdreg s2  }
0xaf: {  	[dreg:$0x3] =	wrdreg s24  }
0xb0: {  	[dreg:$0x4] =	wrdreg $0x9  }
0xb1: {  	_ =	task.clear_ibuf [dreg:s7], $0x5FFFF;
	_ =	strace $0x90000046  }
0xb2: {  	s29 =	simm.s32 $0x9;
	_ =	strace $0x80000048  }
0xb3: {  	_ =	swait.ge [sflag:s29], $0x1  }
0xb4: {  	[sflag:s29] =	ssyncadd.s32 $0xFFFFFFFF  }
0xb5: {  	_ =	strace $0x90000048  }
0xb6: {  	_ =	sfence  }
0xb7: {  	s30 =	sld [smem:$0x0];
	_ =	sdelay $0x2  }
0xb8: {  	s31 =	sshll.u32 s1, $0xD;
	s1 =	sshrl.u32 s1, $0x2  }
0xb9: {  	s3 =	sand.u32 $0x4000, s31;
	s1 =	sadd.s32 s1, s30  }
0xba: {  	s0 =	sor.u32 s3, s0;
	s1 =	sshll.u32 s1, $0x11  }
0xbb: {  	s0 =	sor.u32 s1, s0  }
0xbc: {  	s0 =	sadd.s32 $0x8F2B, s0  }
0xbd: {  	[sflag:s0] =	ssyncadd.remote.s32 $0x1  }
0xbe: {  	_ =	sfence.sel $0xFFFF  }
0xbf: {  	[dreg:$0x0] =	wrdreg $0xFFFFFFFF;
	(pc) =	sbr.abs _section_cstart, $3  }
0xc0: {  	[dreg:$0x1] =	wrdreg $0xFFFFFFFF  }
0xc1: {  	_ =	task.clear_ibuf [dreg:s7], $0x2FFFF;
	_ =	strace $0x9FFFFFFF  }
0xc2: {  	(tm) =	ssettm $0x7FFFFFFF  }
0xc3: {  	_ =	shalt  }
tec
execute0_lowered:
.L_overlay_start_1:
0x0: {  	(tag) =	ssettag $0x1  }
0x1: {  	s1 =	rddreg [dreg:$0x0]  }
0x2: {  	s5 =	rddreg [dreg:$0x1];
	s3 =	simm.s32 $0x0;
	s4 =	srdreg.scid  }
0x3: {  	s0 =	stileid.u32;
	s11 =	simm.s32 $0x8000;
	s12 =	simm.s32 $0x1  }
0x4: {  	s13 =	simm.s32 $0x2;
	s14 =	simm.s32 $0x0;
	[smem:$0x7FF] =	sst s3  }
0x5: {  	s4 =	sand.u32 $0x1, s4;
	s6 =	sshll.u32 s0, $0x2;
	s8 =	sshll.u32 s0, $0x6  }
0x6: {  	_ =	strace $0x80000047;
	s7 =	sshll.u32 s4, $0x1;
	s9 =	ssub.s32 $0x2, s4  }
0x7: {  	s29 =	sand.u32 $0x380, s8;
	s4 =	sor.u32 s7, s6;
	s30 =	sshrl.u32 s9, $0x1  }
0x8: {  	s10 =	sadd.s32 s29, s5;
	s31 =	sshll.u32 s4, $0xE;
	s9 =	ssub.s32 s9, s30  }
0x9: {  	s7 =	sadd.s32 $0x400, s10;
	s10 =	simm.s32 $0x10000;
	s5 =	sadd.s32 s1, s31  }
0xa: {  	v0 =	vlaneseq.u32;
	s8 =	smax.u32 s9, $0x1;
	s9 =	simm.s32 $0x4000;
	s6 =	sadd.s32 $0x800, s5  }
.LBB2_1:
0xb: {  	[tilespmem:s3], [sflag:$0x1] =	stream.strided.gather [hbm4b:s5+s9], $0x8000, s10, s9, $0x38;
	[tilespmem:$0x10880] =	vst v63  }
0xc: {  	v3 =	vimm.f32 $-1.000000000e+00;
	s15 =	simm.s32 $0x0  }
0xd: {  	v4 =	vimm.s32 $0x0;
	v1 =	vimm.s32 $0x0;
	v2 =	vimm.f32 $-1.000000000e+00;
	[tilespmem:s11], [sflag:$0x2] =	stream.strided.gather [hbm4b:s6+s9], $0x8000, s10, s9, $0x38;
	[tilespmem:$0x10880] =	vst v63  }
.LBB2_2:
0xe: {  	_ =	swait.ge [sflag:s12], $0x8000;
	s18 =	simm.s32 $0x0  }
0xf: {  	[sflag:s12] =	ssyncset.done $0x0;
	s17 =	sand.u32 $0x60, s18;
	s16 =	sand.u32 $0x3C00, s18  }
0x10: {  	[sflag:s12] =	ssyncadd.s32 $0xFFFF8000;
	s20 =	sor.u32 s17, s16  }
0x11: {  	v5 =	vld [tilespmem:s20+$0x0]  }
0x12: {  	v6 =	vld [tilespmem:s20+$0x80]  }
0x13: {  	v9 =	vld [tilespmem:s20+$0x100]  }
0x14: {  	v11 =	vld [tilespmem:s20+$0x180]  }
0x15: {  	s19 =	sor.u32 $0x10, s17;
	v13 =	vld [tilespmem:s20+$0x200]  }
0x16: {  	v14 =	vld [tilespmem:s20+$0x280];
	s2 =	sor.u32 s19, s16  }
0x17: {  	v15 =	vld [tilespmem:s2+$0x0]  }
0x18: {  	v16 =	vld [tilespmem:s2+$0x80]  }
0x19: {  	v17 =	vld [tilespmem:s2+$0x100]  }
0x1a: {  	v18 =	vld [tilespmem:s2+$0x180]  }
0x1b: {  	s21 =	sor.u32 $0x4000, s16;
	v19 =	vld [tilespmem:s2+$0x200]  }
0x1c: {  	s23 =	sor.u32 $0x4080, s16;
	s22 =	sor.u32 s17, s21;
	v20 =	vld [tilespmem:s2+$0x280]  }
0x1d: {  	s24 =	sor.u32 s17, s23;
	v22 =	vld [tilespmem:s22+$0x0]  }
0x1e: {  	s0 =	sor.u32 s19, s21;
	v23 =	vld [tilespmem:s24+$0x0]  }
0x1f: {  	s22 =	sor.u32 $0x4100, s16;
	v21 =	vld [tilespmem:s0+$0x0];
	s2 =	sor.u32 s19, s23  }
0x20: {  	s24 =	sor.u32 $0x4180, s16;
	s25 =	sor.u32 s17, s22;
	v25 =	vld [tilespmem:s2+$0x0]  }
0x21: {  	s26 =	sor.u32 s17, s24;
	v24 =	vld [tilespmem:s25+$0x0];
	s25 =	sor.u32 $0x4200, s16;
	v7 =	vmul.f32 v5, v5;
	v8 =	vmul.f32 v6, v6  }
0x22: {  	v26 =	vld [tilespmem:s26+$0x0];
	s26 =	sor.u32 $0x4280, s16;
	s28 =	sor.u32 s17, s25;
	v10 =	vmul.f32 v9, v9;
	v12 =	vmul.f32 v11, v11  }
0x23: {  	s29 =	sor.u32 s17, s26;
	v28 =	vld [tilespmem:s28+$0x0];
	s28 =	sor.u32 $0x4300, s16;
	v9 =	vmul.f32 v13, v13;
	v11 =	vmul.f32 v14, v14  }
0x24: {  	v29 =	vld [tilespmem:s29+$0x0];
	s29 =	sor.u32 $0x4380, s16;
	s30 =	sor.u32 s17, s28;
	v13 =	vmul.f32 v15, v15;
	v14 =	vmul.f32 v16, v16  }
0x25: {  	s16 =	sshll.u32 s15, $0x1;
	s17 =	sor.u32 s17, s29;
	v15 =	vmul.f32 v17, v17;
	v16 =	vmul.f32 v18, v18;
	v33 =	vld [tilespmem:s30+$0x0]  }
0x26: {  	s21 =	sor.u32 s19, s22;
	s31 =	sand.u32 $0x2, s16;
	v17 =	vmul.f32 v19, v19;
	v19 =	vmul.f32 v20, v20;
	v34 =	vld [tilespmem:s17+$0x0]  }
0x27: {  	s22 =	sor.u32 s19, s24;
	v27 =	vld [tilespmem:s21+$0x0];
	v18 =	vmul.f32 v22, v22;
	v20 =	vmul.f32 v23, v23;
	p0 =	seq.s32 s31, $0x0  }
0x28: {  	s20 =	simm.s32 $0x20;
	s24 =	sand.u32 $0x3, s18;
	v30 =	vld [tilespmem:s22+$0x0];
	s23 =	sor.u32 s19, s25;
	v2 =	vpsel p0, $0xBF800000, v2;
	v3 =	vpsel p0, $0xBF800000, v3;
	v1 =	vpsel p0, $0x0, v1  }
0x29: {  	s21 =	sshll.u32 s24, $0x5;
	v32 =	vld [tilespmem:s23+$0x0];
	s17 =	sshll.u32 s31, $0xB;
	s30 =	sor.u32 s19, s26;
	v4 =	vpsel p0, $0x0, v4;
	v22 =	vmul.f32 v24, v24;
	v24 =	vmul.f32 v26, v26  }
0x2a: {  	s23 =	sadd.s32 $0x0, s21;
	s31 =	sor.u32 s19, s28;
	s25 =	sor.u32 $0x10, s17;
	v5 =	vor.u32 s17, v0;
	v31 =	vld [tilespmem:s30+$0x0];
	v23 =	vmul.f32 v28, v28;
	v26 =	vmul.f32 v29, v29  }
0x2b: {  	s21 =	simm.s32 $0x0;
	s22 =	sor.u32 s19, s29;
	s19 =	simm.s32 $0x0;
	v6 =	vor.u32 s25, v0;
	v28 =	vmul.f32 v33, v33;
	v29 =	vmul.f32 v34, v34;
	v33 =	vld [tilespmem:s31+$0x0]  }
.LBB2_3:
0x2c: {  	p1 =	sne.s32 s20, $0x7E0;
	s24 =	sor.u32 $0x300, s23;
	v34 =	vld [tilespmem:s22+$0x0];
	v21 =	vmul.f32 v21, v21;
	v25 =	vmul.f32 v25, v25  }
0x2d: {  	s22 =	sor.u32 $0x380, s23;
	s25 =	sadd.s32 $0x10, s23;
	v27 =	vmul.f32 v27, v27;
	v35 =	vld [tilespmem:s24+$0x0];
	v30 =	vmul.f32 v30, v30  }
0x2e: {  	v7 =	vadd.f32 v8, v7;
	v8 =	vadd.f32 v12, v10;
	s18 =	sadd.s32 $0x100, s18;
	v36 =	vld [tilespmem:s22+$0x0];
	s22 =	sor.u32 $0x300, s25;
	v10 =	vmul.f32 v32, v32  }
0x2f: {  	s23 =	sand.u32 $0x60, s20;
	v9 =	vadd.f32 v11, v9;
	v13 =	vadd.f32 v14, v13;
	s24 =	sand.u32 $0x3C00, s18;
	v11 =	vld [tilespmem:s22+$0x0];
	s22 =	sor.u32 $0x380, s25;
	v12 =	vmul.f32 v31, v31  }
0x30: {  	v15 =	vadd.f32 v16, v15;
	v16 =	vadd.f32 v19, v17;
	s25 =	sor.u32 s23, s24;
	v14 =	vld [tilespmem:s22+$0x0];
	v31 =	vmul.f32 v33, v33  }
0x31: {  	v18 =	vadd.f32 v20, v18;
	v19 =	vadd.f32 v24, v22;
	v17 =	vld [tilespmem:s25+$0x0];
	v20 =	vmul.f32 v34, v34  }
0x32: {  	v23 =	vadd.f32 v26, v23;
	v26 =	vadd.f32 v29, v28;
	v22 =	vld [tilespmem:s25+$0x80];
	v24 =	vmul.f32 v35, v35  }
0x33: {  	v21 =	vadd.f32 v25, v21;
	v25 =	vadd.f32 v30, v27;
	v28 =	vld [tilespmem:s25+$0x100];
	v29 =	vmul.f32 v36, v36  }
0x34: {  	v10 =	vadd.f32 v12, v10;
	v12 =	vadd.f32 v20, v31;
	v27 =	vld [tilespmem:s25+$0x180];
	v11 =	vmul.f32 v11, v11  }
0x35: {  	v7 =	vadd.f32 v8, v7;
	v13 =	vadd.f32 v15, v13;
	s22 =	sor.u32 $0x10, s23;
	v20 =	vld [tilespmem:s25+$0x200];
	v8 =	vmul.f32 v14, v14  }
0x36: {  	v18 =	vadd.f32 v19, v18;
	v15 =	vadd.f32 v29, v24;
	v14 =	vld [tilespmem:s25+$0x280];
	s25 =	sor.u32 s22, s24  }
0x37: {  	v23 =	vadd.f32 v26, v23;
	v19 =	vld [tilespmem:s25+$0x0];
	v8 =	vadd.f32 v8, v11  }
0x38: {  	v10 =	vadd.f32 v12, v10;
	v11 =	vadd.f32 v25, v21;
	v24 =	vld [tilespmem:s25+$0x80]  }
0x39: {  	v9 =	vadd.f32 v15, v9;
	v26 =	vld [tilespmem:s25+$0x100];
	v8 =	vadd.f32 v8, v16  }
0x3a: {  	v12 =	vadd.f32 v23, v18;
	v10 =	vadd.f32 v10, v11;
	v16 =	vld [tilespmem:s25+$0x180]  }
0x3b: {  	s26 =	sor.u32 $0x4000, s24;
	v7 =	vadd.f32 v9, v7;
	v18 =	vld [tilespmem:s25+$0x200];
	v8 =	vadd.f32 v8, v13  }
0x3c: {  	s29 =	sor.u32 $0x4080, s24;
	s28 =	sor.u32 s23, s26;
	v23 =	vld [tilespmem:s25+$0x280]  }
0x3d: {  	v7 =	vadd.f32 v12, v7;
	s25 =	sor.u32 s23, s29;
	v29 =	vld [tilespmem:s28+$0x0];
	s28 =	sor.u32 $0x4100, s24;
	v8 =	vadd.f32 v10, v8  }
0x3e: {  	s30 =	sor.u32 $0x4180, s24;
	v9 =	vor.u32 s19, v5;
	v30 =	vld [tilespmem:s25+$0x0];
	s25 =	sor.u32 s23, s28  }
0x3f: {  	s31 =	sor.u32 $0x4200, s24;
	vm0 =	vgt.f32 v7, v2;
	v10 =	vor.u32 s19, v6;
	s19 =	smov.u32 s20;
	v31 =	vld [tilespmem:s25+$0x0];
	s25 =	sor.u32 s23, s30;
	vm1 =	vgt.f32 v8, v3  }
0x40: {  	s0 =	sor.u32 $0x4280, s24;
	v2 =	vsel vm0, v7, v2;
	v32 =	vld [tilespmem:s25+$0x0];
	s25 =	sor.u32 s23, s31;
	v3 =	vsel vm1, v8, v3;
	v4 =	vsel vm1, v10, v4  }
0x41: {  	s2 =	sor.u32 $0x4300, s24;
	v1 =	vsel vm0, v9, v1;
	v33 =	vld [tilespmem:s25+$0x0];
	s25 =	sor.u32 s23, s0  }
0x42: {  	s24 =	sor.u32 $0x4380, s24;
	v7 =	vmul.f32 v17, v17;
	v8 =	vmul.f32 v22, v22;
	v34 =	vld [tilespmem:s25+$0x0];
	s25 =	sor.u32 s23, s2  }
0x43: {  	v12 =	vmul.f32 v27, v27;
	v10 =	vmul.f32 v28, v28;
	s23 =	sor.u32 s23, s24;
	v35 =	vld [tilespmem:s25+$0x0]  }
0x44: {  	v11 =	vmul.f32 v14, v14;
	v9 =	vmul.f32 v20, v20;
	v36 =	vld [tilespmem:s23+$0x0];
	s23 =	sor.u32 s22, s26  }
0x45: {  	v13 =	vmul.f32 v19, v19;
	v14 =	vmul.f32 v24, v24;
	v21 =	vld [tilespmem:s23+$0x0];
	s23 =	sor.u32 s22, s29  }
0x46: {  	v15 =	vmul.f32 v26, v26;
	v16 =	vmul.f32 v16, v16;
	v25 =	vld [tilespmem:s23+$0x0];
	s23 =	sor.u32 s22, s28  }
.Ltmp0:
0x47: {  	v17 =	vmul.f32 v18, v18;
	v19 =	vmul.f32 v23, v23;
	v27 =	vld [tilespmem:s23+$0x0];
	s23 =	sor.u32 s22, s30;
	(pc) =	sbr.rel @p1 .LBB2_3-.Ltmp0, $4  }
0x48: {  	s21 =	sadd.s32 $0x1, s21;
	v18 =	vmul.f32 v29, v29;
	v20 =	vmul.f32 v30, v30;
	v30 =	vld [tilespmem:s23+$0x0];
	s23 =	sor.u32 s22, s31  }
0x49: {  	s0 =	sor.u32 s22, s0;
	s25 =	sand.u32 $0x3, s21;
	v22 =	vmul.f32 v31, v31;
	v24 =	vmul.f32 v32, v32;
	v32 =	vld [tilespmem:s23+$0x0]  }
0x4a: {  	v23 =	vmul.f32 v33, v33;
	v26 =	vmul.f32 v34, v34;
	s23 =	sshll.u32 s25, $0x5;
	v31 =	vld [tilespmem:s0+$0x0];
	s0 =	sor.u32 s22, s2  }
0x4b: {  	s20 =	sadd.s32 $0x20, s20;
	v28 =	vmul.f32 v35, v35;
	v29 =	vmul.f32 v36, v36;
	s23 =	sadd.s32 s23, s18;
	s22 =	sor.u32 s22, s24;
	v33 =	vld [tilespmem:s0+$0x0]  }
0x4c: {  	p1 =	seq.s32 s15, $0x3;
	s0 =	sor.u32 $0x300, s23  }
0x4d: {  	s18 =	sor.u32 $0x380, s23;
	s30 =	sadd.s32 $0x10, s23;
	s2 =	sadd.s32 @!p1 $0x2, s16  }
0x4e: {  	v34 =	vld [tilespmem:s22+$0x0];
	s31 =	sor.u32 $0x300, s30;
	s20 =	sshrl.u32 @!p1 s2, $0x2;
	s2 =	sshll.u32 @!p1 s2, $0xB  }
0x4f: {  	v35 =	vld [tilespmem:s0+$0x0];
	s0 =	sor.u32 $0x380, s30;
	s20 =	sadd.s32 @!p1 s4, s20;
	s2 =	sand.u32 @!p1 $0x1000, s2  }
0x50: {  	v36 =	vld [tilespmem:s18+$0x0];
	s18 =	simm.s32 @!p1 $0x10000;
	s20 =	sshll.u32 @!p1 s20, $0xE;
	s2 =	sadd.s32 @!p1 s1, s2  }
0x51: {  	v38 =	vld [tilespmem:s0+$0x0];
	s0 =	simm.s32 @!p1 $0x4000;
	s2 =	sadd.s32 @!p1 s20, s2;
	s20 =	simm.s32 @!p1 $0x0  }
0x52: {  	v37 =	vld [tilespmem:s31+$0x0];
	[tilespmem:s20], [sflag:$0x1] =	stream.strided.gather @!p1 [hbm4b:s2+s0], $0x8000, s18, s0, $0x38  }
0x53: {  	s18 =	simm.s32 $0x0  }
0x54: {  	_ =	swait.ge [sflag:s13], $0x8000;
	s0 =	sand.u32 $0x3C00, s18  }
0x55: {  	s30 =	sand.u32 $0x60, s18;
	[sflag:s13] =	ssyncset.done $0x0;
	s29 =	sor.u32 $0x8000, s0  }
0x56: {  	[sflag:s13] =	ssyncadd.s32 $0xFFFF8000;
	s21 =	sor.u32 s30, s29  }
0x57: {  	v7 =	vadd.f32 v8, v7;
	v8 =	vadd.f32 v12, v10;
	v39 =	vld [tilespmem:s21+$0x0]  }
0x58: {  	v9 =	vadd.f32 v11, v9;
	v11 =	vadd.f32 v14, v13;
	v10 =	vld [tilespmem:s21+$0x80]  }
0x59: {  	v13 =	vadd.f32 v16, v15;
	v14 =	vmul.f32 v21, v21;
	v15 =	vadd.f32 v19, v17;
	v12 =	vld [tilespmem:s21+$0x100]  }
0x5a: {  	v17 =	vmul.f32 v25, v25;
	v19 =	vmul.f32 v27, v27;
	v18 =	vadd.f32 v20, v18;
	v16 =	vld [tilespmem:s21+$0x180]  }
0x5b: {  	v22 =	vadd.f32 v24, v22;
	v23 =	vadd.f32 v26, v23;
	v21 =	vmul.f32 v30, v30;
	s20 =	sor.u32 $0xC000, s0;
	v20 =	vld [tilespmem:s21+$0x200]  }
0x5c: {  	v28 =	vadd.f32 v29, v28;
	v25 =	vmul.f32 v32, v32;
	v14 =	vadd.f32 v17, v14;
	s22 =	sor.u32 s30, s20;
	v24 =	vld [tilespmem:s21+$0x280];
	s21 =	sor.u32 $0xC080, s0  }
0x5d: {  	v7 =	vadd.f32 v8, v7;
	v11 =	vadd.f32 v13, v11;
	v27 =	vmul.f32 v31, v31;
	v26 =	vld [tilespmem:s22+$0x0];
	s22 =	sor.u32 $0xC100, s0;
	s23 =	sor.u32 s30, s21  }
0x5e: {  	v17 =	vadd.f32 v21, v19;
	v30 =	vmul.f32 v33, v33;
	v31 =	vmul.f32 v34, v34;
	s24 =	sor.u32 s30, s22;
	v29 =	vld [tilespmem:s23+$0x0];
	s23 =	sor.u32 $0xC180, s0  }
0x5f: {  	v25 =	vadd.f32 v27, v25;
	v57 =	vmul.f32 v35, v35;
	v58 =	vmul.f32 v36, v36;
	v19 =	vld [tilespmem:s24+$0x0];
	s24 =	sor.u32 $0xC200, s0;
	s25 =	sor.u32 s30, s23  }
0x60: {  	v21 =	vmul.f32 v37, v37;
	v27 =	vadd.f32 v31, v30;
	v8 =	vmul.f32 v38, v38;
	s26 =	sor.u32 s30, s24;
	v30 =	vld [tilespmem:s25+$0x0];
	s25 =	sor.u32 $0xC280, s0  }
0x61: {  	v18 =	vadd.f32 v22, v18;
	v13 =	vadd.f32 v58, v57;
	v31 =	vld [tilespmem:s26+$0x0];
	s26 =	sor.u32 $0xC300, s0;
	s28 =	sor.u32 s30, s25  }
0x62: {  	v23 =	vadd.f32 v28, v23;
	v8 =	vadd.f32 v8, v21;
	s31 =	sor.u32 s30, s26;
	v22 =	vld [tilespmem:s28+$0x0];
	s28 =	sor.u32 $0xC380, s0  }
0x63: {  	v14 =	vadd.f32 v17, v14;
	v9 =	vadd.f32 v13, v9;
	v21 =	vld [tilespmem:s31+$0x0];
	s0 =	sor.u32 s30, s28;
	s30 =	sor.u32 $0x10, s30  }
0x64: {  	v13 =	vadd.f32 v27, v25;
	v8 =	vadd.f32 v8, v15;
	v59 =	vld [tilespmem:s0+$0x0];
	s29 =	sor.u32 s30, s29  }
0x65: {  	v15 =	vadd.f32 v23, v18;
	v7 =	vadd.f32 v9, v7;
	v27 =	vld [tilespmem:s29+$0x0]  }
0x66: {  	v9 =	vadd.f32 v13, v14;
	v23 =	vld [tilespmem:s29+$0x80]  }
0x67: {  	v11 =	vadd.f32 v8, v11;
	v14 =	vadd.f32 v15, v7;
	v7 =	vmul.f32 v39, v39;
	v60 =	vld [tilespmem:s29+$0x100]  }
0x68: {  	v5 =	vor.u32 s19, v5;
	v8 =	vmul.f32 v10, v10;
	v10 =	vmul.f32 v12, v12;
	v61 =	vld [tilespmem:s29+$0x180]  }
0x69: {  	v17 =	vadd.f32 v9, v11;
	v12 =	vmul.f32 v16, v16;
	v9 =	vmul.f32 v20, v20;
	v62 =	vld [tilespmem:s29+$0x200]  }
0x6a: {  	v6 =	vor.u32 s19, v6;
	v11 =	vmul.f32 v24, v24;
	v13 =	vmul.f32 v26, v26;
	s31 =	sor.u32 s30, s20;
	v63 =	vld [tilespmem:s29+$0x280]  }
0x6b: {  	vm0 =	vgt.f32 v14, v2;
	vm1 =	vgt.f32 v17, v3;
	v15 =	vmul.f32 v29, v29;
	s2 =	sor.u32 s30, s21;
	v25 =	vld [tilespmem:s31+$0x0]  }
0x6c: {  	v2 =	vsel vm0, v14, v2;
	v14 =	vmul.f32 v19, v19;
	s19 =	sor.u32 s30, s22;
	v16 =	vmul.f32 v30, v30;
	v28 =	vld [tilespmem:s2+$0x0]  }
0x6d: {  	v3 =	vsel vm1, v17, v3;
	s20 =	sor.u32 s30, s23;
	v17 =	vmul.f32 v31, v31;
	v29 =	vld [tilespmem:s19+$0x0];
	v18 =	vmul.f32 v22, v22  }
0x6e: {  	v1 =	vsel vm0, v5, v1;
	s21 =	sor.u32 $0x800, s17;
	s22 =	sor.u32 s30, s24;
	s23 =	sand.u32 $0x3, s18;
	v33 =	vld [tilespmem:s20+$0x0];
	v19 =	vmul.f32 v21, v21;
	v20 =	vmul.f32 v59, v59  }
0x6f: {  	v4 =	vsel vm1, v6, v4;
	s24 =	sor.u32 $0x810, s17;
	s17 =	simm.s32 $0x0;
	v31 =	vld [tilespmem:s22+$0x0];
	s29 =	sor.u32 s30, s25;
	v21 =	vmul.f32 v27, v27;
	v22 =	vmul.f32 v23, v23  }
0x70: {  	s19 =	sshll.u32 s23, $0x5;
	v5 =	vor.u32 s21, v0;
	s31 =	sor.u32 s30, s26;
	s22 =	sor.u32 s30, s28;
	v30 =	vld [tilespmem:s29+$0x0];
	v23 =	vmul.f32 v60, v60;
	v24 =	vmul.f32 v61, v61  }
0x71: {  	v6 =	vor.u32 s24, v0;
	s20 =	simm.s32 $0x0;
	s21 =	sadd.s32 $0x0, s19;
	v32 =	vld [tilespmem:s31+$0x0];
	s19 =	simm.s32 $0x20;
	v26 =	vmul.f32 v62, v62;
	v27 =	vmul.f32 v63, v63  }
.LBB2_5:
0x72: {  	p2 =	sne.s32 s19, $0x7E0;
	s0 =	sor.u32 $0x300, s21;
	v34 =	vld [tilespmem:s22+$0x0];
	v25 =	vmul.f32 v25, v25;
	v28 =	vmul.f32 v28, v28  }
0x73: {  	s2 =	sadd.s32 $0x10, s21;
	v29 =	vmul.f32 v29, v29;
	s18 =	sadd.s32 $0x100, s18;
	v35 =	vld [tilespmem:s0+$0x8000];
	s0 =	sor.u32 $0x380, s21;
	v33 =	vmul.f32 v33, v33  }
0x74: {  	v7 =	vadd.f32 v8, v7;
	v8 =	vadd.f32 v12, v10;
	s22 =	sand.u32 $0x3C00, s18;
	v36 =	vld [tilespmem:s0+$0x8000];
	s0 =	sor.u32 $0x300, s2;
	v10 =	vmul.f32 v31, v31  }
0x75: {  	s23 =	sand.u32 $0x60, s19;
	v9 =	vadd.f32 v11, v9;
	v11 =	vadd.f32 v15, v13;
	s21 =	sor.u32 $0x8000, s22;
	v12 =	vld [tilespmem:s0+$0x8000];
	s0 =	sor.u32 $0x380, s2;
	v13 =	vmul.f32 v30, v30  }
0x76: {  	v14 =	vadd.f32 v16, v14;
	v15 =	vadd.f32 v18, v17;
	s2 =	sor.u32 s23, s21;
	v16 =	vld [tilespmem:s0+$0x8000];
	v17 =	vmul.f32 v32, v32  }
0x77: {  	v19 =	vadd.f32 v20, v19;
	v21 =	vadd.f32 v22, v21;
	v18 =	vld [tilespmem:s2+$0x0];
	v20 =	vmul.f32 v34, v34  }
0x78: {  	v23 =	vadd.f32 v24, v23;
	v24 =	vadd.f32 v27, v26;
	v22 =	vld [tilespmem:s2+$0x80];
	v30 =	vmul.f32 v35, v35  }
0x79: {  	v25 =	vadd.f32 v28, v25;
	v28 =	vadd.f32 v33, v29;
	v26 =	vld [tilespmem:s2+$0x100];
	v27 =	vmul.f32 v36, v36  }
0x7a: {  	v10 =	vadd.f32 v13, v10;
	v13 =	vadd.f32 v20, v17;
	v29 =	vld [tilespmem:s2+$0x180];
	v12 =	vmul.f32 v12, v12  }
0x7b: {  	s24 =	sor.u32 $0xC000, s22;
	v7 =	vadd.f32 v8, v7;
	v17 =	vld [tilespmem:s2+$0x200];
	v20 =	vadd.f32 v27, v30;
	v8 =	vmul.f32 v16, v16  }
0x7c: {  	s25 =	sor.u32 $0xC080, s22;
	v11 =	vadd.f32 v14, v11;
	v14 =	vadd.f32 v19, v15;
	s0 =	sor.u32 s23, s24;
	v16 =	vld [tilespmem:s2+$0x280]  }
0x7d: {  	s26 =	sor.u32 $0xC100, s22;
	v15 =	vld [tilespmem:s0+$0x0];
	s0 =	sor.u32 s23, s25;
	v8 =	vadd.f32 v8, v12;
	v12 =	vadd.f32 v23, v21  }
0x7e: {  	s28 =	sor.u32 $0xC180, s22;
	v10 =	vadd.f32 v13, v10;
	v21 =	vadd.f32 v28, v25;
	v19 =	vld [tilespmem:s0+$0x0];
	s0 =	sor.u32 s23, s26  }
0x7f: {  	s29 =	sor.u32 $0xC200, s22;
	v9 =	vadd.f32 v20, v9;
	v23 =	vld [tilespmem:s0+$0x0];
	s0 =	sor.u32 s23, s28;
	v8 =	vadd.f32 v8, v24  }
0x80: {  	s30 =	sor.u32 $0xC280, s22;
	v11 =	vadd.f32 v14, v11;
	v10 =	vadd.f32 v10, v21;
	v20 =	vld [tilespmem:s0+$0x0];
	s0 =	sor.u32 s23, s29  }
0x81: {  	s31 =	sor.u32 $0xC300, s22;
	v7 =	vadd.f32 v9, v7;
	v21 =	vld [tilespmem:s0+$0x0];
	s0 =	sor.u32 s23, s30;
	v8 =	vadd.f32 v8, v12  }
0x82: {  	s22 =	sor.u32 $0xC380, s22;
	v24 =	vld [tilespmem:s0+$0x0];
	s0 =	sor.u32 s23, s31  }
0x83: {  	v7 =	vadd.f32 v11, v7;
	v27 =	vld [tilespmem:s0+$0x0];
	s0 =	sor.u32 s23, s22;
	s23 =	sor.u32 $0x10, s23;
	v8 =	vadd.f32 v10, v8  }
0x84: {  	v9 =	vor.u32 s17, v5;
	v30 =	vld [tilespmem:s0+$0x0];
	s0 =	sor.u32 s23, s21  }
0x85: {  	vm0 =	vgt.f32 v7, v2;
	v10 =	vor.u32 s17, v6;
	s17 =	smov.u32 s19;
	v32 =	vld [tilespmem:s0+$0x0];
	vm1 =	vgt.f32 v8, v3  }
0x86: {  	v2 =	vsel vm0, v7, v2;
	v34 =	vld [tilespmem:s0+$0x80];
	v3 =	vsel vm1, v8, v3;
	v4 =	vsel vm1, v10, v4  }
0x87: {  	v1 =	vsel vm0, v9, v1;
	v35 =	vld [tilespmem:s0+$0x100]  }
0x88: {  	v7 =	vmul.f32 v18, v18;
	v8 =	vmul.f32 v22, v22;
	v36 =	vld [tilespmem:s0+$0x180]  }
0x89: {  	v12 =	vmul.f32 v29, v29;
	v10 =	vmul.f32 v26, v26;
	v26 =	vld [tilespmem:s0+$0x200]  }
0x8a: {  	v11 =	vmul.f32 v16, v16;
	v9 =	vmul.f32 v17, v17;
	v37 =	vld [tilespmem:s0+$0x280];
	s0 =	sor.u32 s23, s24  }
0x8b: {  	v13 =	vmul.f32 v15, v15;
	v15 =	vmul.f32 v19, v19;
	v25 =	vld [tilespmem:s0+$0x0];
	s0 =	sor.u32 s23, s25  }
0x8c: {  	v14 =	vmul.f32 v23, v23;
	v16 =	vmul.f32 v20, v20;
	v28 =	vld [tilespmem:s0+$0x0];
	s0 =	sor.u32 s23, s26  }
.Ltmp1:
0x8d: {  	v17 =	vmul.f32 v21, v21;
	v18 =	vmul.f32 v24, v24;
	v29 =	vld [tilespmem:s0+$0x0];
	s0 =	sor.u32 s23, s28;
	(pc) =	sbr.rel @p2 .LBB2_5-.Ltmp1, $4  }
0x8e: {  	s20 =	sadd.s32 $0x1, s20;
	v19 =	vmul.f32 v27, v27;
	v20 =	vmul.f32 v30, v30;
	v33 =	vld [tilespmem:s0+$0x0];
	s0 =	sor.u32 s23, s29  }
0x8f: {  	s2 =	sand.u32 $0x3, s20;
	v21 =	vmul.f32 v32, v32;
	v22 =	vmul.f32 v34, v34;
	v31 =	vld [tilespmem:s0+$0x0];
	s0 =	sor.u32 s23, s30  }
0x90: {  	s2 =	sshll.u32 s2, $0x5;
	v23 =	vmul.f32 v35, v35;
	v24 =	vmul.f32 v36, v36;
	v30 =	vld [tilespmem:s0+$0x0];
	s0 =	sor.u32 s23, s31  }
0x91: {  	s19 =	sadd.s32 $0x20, s19;
	s21 =	sadd.s32 s2, s18;
	s22 =	sor.u32 s23, s22;
	v26 =	vmul.f32 v26, v26;
	v27 =	vmul.f32 v37, v37;
	v32 =	vld [tilespmem:s0+$0x0]  }
0x92: {  	s0 =	sor.u32 $0x300, s21;
	v34 =	vld [tilespmem:s22+$0x0];
	v7 =	vadd.f32 v8, v7  }
0x93: {  	v25 =	vmul.f32 v25, v25;
	s28 =	sor.u32 $0x380, s21;
	s2 =	sadd.s32 $0x10, s21;
	v41 =	vadd.f32 v12, v10;
	v9 =	vadd.f32 v11, v9;
	v35 =	vld [tilespmem:s0+$0x8000]  }
0x94: {  	v28 =	vmul.f32 v28, v28;
	v43 =	vadd.f32 v15, v13;
	v14 =	vadd.f32 v16, v14;
	v36 =	vld [tilespmem:s28+$0x8000];
	s29 =	sor.u32 $0x300, s2  }
0x95: {  	v29 =	vmul.f32 v29, v29;
	v46 =	vadd.f32 v18, v17;
	v49 =	vadd.f32 v20, v19;
	s30 =	sor.u32 $0x380, s2;
	v44 =	vld [tilespmem:s29+$0x8000]  }
0x96: {  	v51 =	vadd.f32 v22, v21;
	v53 =	vadd.f32 v24, v23;
	v33 =	vmul.f32 v33, v33;
	v47 =	vld [tilespmem:s30+$0x8000]  }
0x97: {  	v54 =	vadd.f32 v27, v26;
	v42 =	vmul.f32 v31, v31;
	v25 =	vadd.f32 v28, v25  }
0x98: {  	v7 =	vadd.f32 v41, v7;
	v11 =	vadd.f32 v14, v43;
	v45 =	vmul.f32 v30, v30  }
0x99: {  	v60 =	vadd.f32 v49, v46;
	v48 =	vmul.f32 v32, v32;
	v50 =	vmul.f32 v34, v34  }
0x9a: {  	v61 =	vadd.f32 v53, v51;
	v52 =	vmul.f32 v35, v35;
	v55 =	vmul.f32 v36, v36  }
0x9b: {  	v56 =	vadd.f32 v33, v29;
	v12 =	vmul.f32 v44, v44;
	v59 =	vmul.f32 v47, v47  }
0x9c: {  	v10 =	vadd.f32 v45, v42;
	v58 =	vadd.f32 v55, v52  }
0x9d: {  	v57 =	vadd.f32 v50, v48;
	v8 =	vadd.f32 v59, v12  }
0x9e: {  	v62 =	vadd.f32 v56, v25;
	v9 =	vadd.f32 v58, v9  }
0x9f: {  	v10 =	vadd.f32 v57, v10;
	v8 =	vadd.f32 v8, v54  }
0xa0: {  	v11 =	vadd.f32 v60, v11;
	v7 =	vadd.f32 v9, v7  }
0xa1: {  	v63 =	vadd.f32 v10, v62;
	v8 =	vadd.f32 v8, v61  }
0xa2: {  	v7 =	vadd.f32 v11, v7  }
0xa3: {  	v8 =	vadd.f32 v63, v8  }
0xa4: {  	v5 =	vor.u32 s17, v5;
	vm0 =	vgt.f32 v7, v2  }
0xa5: {  	v6 =	vor.u32 s17, v6;
	vm1 =	vgt.f32 v8, v3;
	v2 =	vsel vm0, v7, v2  }
0xa6: {  	v1 =	vsel vm0, v5, v1;
	v3 =	vsel vm1, v8, v3;
	v4 =	vsel vm1, v6, v4  }
0xa7: {  	vm0 =	veq.f32 @!p0 v3, v2;
	vm1 =	vlt.s32 @!p0 v4, v1  }
0xa8: {  	vm2 =	vgt.f32 @!p0 v3, v2;
	vm0 =	vmand @!p0 vm0, vm1  }
0xa9: {  	vm0 =	vmor @!p0 vm2, vm0  }
0xaa: {  	v5 =	vsel @!p0 vm0, v3, v2  }
0xab: {  	(xrf0) =	vmax.scan.msk.f32 @!p0 $0xffff, v5;
	_ =	sdelay $0x5  }
0xac: {  	v6, _, _ =	vpop @!p0 (xrf0)  }
0xad: {  	v6 =	vbroadcast @!p0 v6, $0xF  }
0xae: {  	v7 =	vsel @!p0 vm0, v4, v1  }
0xaf: {  	vm0 =	veq.f32 @!p0 v5, v6;
	v5 =	vxor.u32 @!p0 $0x80000000, v7  }
0xb0: {  	v5 =	vnsel @!p0 vm0, $0x80002000, v5  }
0xb1: {  	(xrf0) =	vmin.scan.msk.u32 @!p0 $0xffff, v5;
	_ =	sdelay $0x5  }
0xb2: {  	v5, _, _ =	vpop @!p0 (xrf0)  }
0xb3: {  	(v2sf) =	vpush @!p0 v5, $0xF;
	_ =	sdelay $0x8  }
0xb4: {  	s0 =	sadd.s32 @!p1 $0x3, s16  }
0xb5: {  	s31 =	sshrl.u32 s15, $0x1;
	s2 =	sshrl.u32 @!p1 s0, $0x2;
	s0 =	sshll.u32 @!p1 s0, $0xB  }
0xb6: {  	s17 =	simm.s32 @!p1 $0x10000;
	s2 =	sadd.s32 @!p1 s4, s2;
	s0 =	sand.u32 @!p1 $0x1800, s0  }
0xb7: {  	s18 =	simm.s32 @!p1 $0x8000;
	s2 =	sshll.u32 @!p1 s2, $0xE;
	s0 =	sadd.s32 @!p1 s1, s0  }
0xb8: {  	s16 =	sor.u32 s4, s31;
	s0 =	sadd.s32 @!p1 s2, s0;
	s2 =	simm.s32 @!p1 $0x4000  }
0xb9: {  	[tilespmem:s18], [sflag:$0x2] =	stream.strided.gather @!p1 [hbm4b:s0+s2], $0x8000, s17, s2, $0x38;
	[tilespmem:$0x10880] =	vst v63  }
0xba: {  	s0 =	sshll.u32 @!p0 s16, $0xE;
	v5 =	vlaneseq.u32 @!p0;
	s2 =	spop @!p0 (v2sf)  }
0xbb: {  	s18 =	simm.s32 @!p0 $0x10000;
	s0 =	sadd.s32 @!p0 s1, s0;
	v5 =	vmul.u32 @!p0 $0x80, v5;
	s17 =	sand.u32 @!p0 $0xFFFFF80, s2  }
0xbc: {  	s2 =	sand.u32 @!p0 $0x7F, s2;
	s0 =	sadd.s32 @!p0 s17, s0;
	s17 =	simm.s32 @!p0 $0x400  }
0xbd: {  	v5 =	vor.u32 @!p0 s2, v5;
	[tilespmem:s18], [sflag:$0x4] =	stream.strided.gather @!p0 [hbm4b:s0+s17], $0x800, s18, s17, $0x38;
	[tilespmem:$0x10880] =	vst v63  }
0xbe: {  	s0 =	simm.s32 @!p0 $0x4  }
0xbf: {  	_ =	swait.ge @!p0 [sflag:s0], $0x800  }
0xc0: {  	[sflag:s0] =	ssyncset.done @!p0 $0x0  }
0xc1: {  	[sflag:s0] =	ssyncadd.s32 @!p0 $0xFFFFF800  }
0xc2: {  	v5 =	vld.idx.msk @!p0 [tilespmem:v5+s18+$0x0], $0xffff;
	_ =	sdelay $0x2  }
0xc3: {  	s15 =	sadd.s32 $0x1, s15;
	s0 =	sshll.u32 @!p0 s16, $0x4  }
0xc4: {  	p1 =	sne.s32 s15, $0x4;
	s0 =	sand.u32 @!p0 $0x70, s0  }
0xc5: {  	s2 =	simm.s32 @!p0 $0x0;
	s16 =	simm.s32 @!p0 $0x10800;
	s0 =	sadd.s32 @!p0 s0, s7;
	[tilespmem:$0x10800] =	vst @!p0 v5  }
0xc6: {  	[hbm4b:s0+s2] =	stream.linear.scatter @!p0 [tilespmem:s16], [sflag:$0x3], $0x80, $0x38;
	[tilespmem:$0x10880] =	vst v63  }
.Ltmp2:
0xc7: {  	_ = 	snop;
	(pc) =	sbr.rel @p1 .LBB2_2-.Ltmp2, $4  }
0xc8: {  	s0 =	simm.s32 @!p0 $0x3  }
0xc9: {  	_ =	swait.ge @!p0 [sflag:s0], $0x80  }
0xca: {  	[sflag:s0] =	ssyncset.done @!p0 $0x0  }
0xcb: {  	[sflag:s0] =	ssyncadd.s32 @!p0 $0xFFFFFF80  }
0xcc: {  	s14 =	sadd.s32 $0x1, s14  }
0xcd: {  	p0 =	sne.s32 s14, s8  }
.Ltmp3:
0xce: {  	_ = 	snop;
	(pc) =	sbr.rel @p0 .LBB2_1-.Ltmp3, $1  }
0xcf: {  	_ =	sdelay $0x3  }
0xd0: {  	_ =	sfence.sel $0x180000  }
0xd1: {  	[bflag:$0x0] =	sbarrier.arrive $0xFFFF  }
0xd2: {  	_ =	strace $0x90000047  }
0xd3: {  	s0 =	stileid.u32;
	[bflag:$0x2] =	sbarrier.arrive $0xFFFF  }
0xd4: {  	p0 =	sne.s32 s0, $0x0;
	s0 =	rddreg [dreg:$0x2]  }
0xd5: {  	s0 =	sadd.s32 @!p0 $0x100000, s0  }
0xd6: {  	[sflag:s0] =	ssyncadd.tile.s32 @!p0 $0x1;
	_ =	shalt  }
.Lfunc_end2:
_tile_overlayer_lowered:
.L_overlay_start_2:
0xd7: {  	(tag) =	ssettag $0x2  }
0xd8: {  	s0 =	rddreg [dreg:$0x0];
	s2 =	stileid.u32  }
0xd9: {  	s1 =	rddreg [dreg:$0x1];
	p0 =	sne.s32 s2, $0x0  }
0xda: {  	s3 =	rddreg [dreg:$0x2];
	[bflag:$0x3] =	sbarrier.arrive $0xFFFF;
	s2 =	simm.s32 @!p0 $0x1C03  }
0xdb: {  	[timem:s3], [sflag:s2] =	dma.local @!p0 [hbm:s0], s1  }
0xdc: {  	s0 =	simm.s32 @!p0 $0x3  }
0xdd: {  	_ =	swait.ge @!p0 [sflag:s0], s1  }
0xde: {  	s1 =	ssub.s32 @!p0 $0x0, s1;
	[sflag:s0] =	ssyncset.done @!p0 $0x0  }
0xdf: {  	[sflag:s0] =	ssyncadd.s32 @!p0 s1  }
0xe0: {  	[bflag:$0x3] =	sbarrier.arrive $0xFFFF  }
0xe1: {  	_ =	shalt  }

</sc_bundles>
